<compile_context>
chip_gen: v7x
topology: tpu7x:2x2x1
jax: 0.10.2.dev20260603
libtpu: 0.0.44.dev20260713+nightly
codegen_flags: <defaults>
</compile_context>

<pallas_src>
import functools

import jax
import jax.numpy as jnp
from jax import lax
from jax.experimental import pallas as pl
from jax.experimental.pallas import tpu as pltpu
from jax.experimental.pallas import tpu_sc as plsc

N_BOXES = 20000
IOU_T = 0.5
B = 1024


CH = 128


def _nms_body(x1r, y1r, x2r, y2r, eye, tru, keep_out,
              llx1, lly1, llx2, lly2, qref, nb):
    j = pl.program_id(0)

    @pl.when(j == 0)
    def _init():
        qref[0] = 0

    def row(ref, i):
        return ref[pl.ds(i, 1)].reshape(1, B)

    def to_col(v_row):
        return lax.dot_general(eye[...], v_row, (((1,), (1,)), ((), ())),
                               precision=lax.Precision.HIGHEST,
                               preferred_element_type=jnp.float32)

    x1jr, y1jr = row(x1r, j), row(y1r, j)
    x2jr, y2jr = row(x2r, j), row(y2r, j)
    x1j, y1j, x2j, y2j = map(to_col, (x1jr, y1jr, x2jr, y2jr))
    aj = jnp.maximum(x2j - x1j, 0.0) * jnp.maximum(y2j - y1j, 0.0)

    def pair_sup(x1i, y1i, x2i, y2i):
        ai = jnp.maximum(x2i - x1i, 0.0) * jnp.maximum(y2i - y1i, 0.0)
        w = jnp.maximum(jnp.minimum(x2i, x2j) - jnp.maximum(x1i, x1j), 0.0)
        h = jnp.maximum(jnp.minimum(y2i, y2j) - jnp.maximum(y1i, y1j), 0.0)
        inter = w * h
        denom = ai + aj - inter + 1e-12
        return inter / denom > IOU_T

    q = qref[0]
    nch = (q + B - 1) // B

    def cross_body(i, sup):
        m = pair_sup(row(llx1, i), row(lly1, i), row(llx2, i), row(lly2, i))
        return jnp.maximum(
            sup, jnp.max(m.astype(jnp.float32), axis=1, keepdims=True))

    sup = lax.fori_loop(0, nch, cross_body,
                        jnp.zeros((B, 1), dtype=jnp.float32))

    tri = (lax.broadcasted_iota(jnp.int32, (B, B), 1)
           < lax.broadcasted_iota(jnp.int32, (B, B), 0))
    m_intra = (pair_sup(x1jr, y1jr, x2jr, y2jr) & tri).astype(jnp.float32)

    k0 = 1.0 - sup

    def fp_cond(st):
        _, changed, it = st
        return jnp.logical_and(changed > 0, it < B)

    def fp_body(st):
        k, _, it = st
        scol = lax.dot_general(m_intra, k, (((1,), (0,)), ((), ())),
                               precision=lax.Precision.HIGHEST,
                               preferred_element_type=jnp.float32)
        kn = jnp.where(scol > 0.0, 0.0, k0)
        changed = jnp.sum((kn != k).astype(jnp.int32))
        return kn, changed, it + 1

    k, _, _ = lax.while_loop(
        fp_cond, fp_body, (k0, jnp.int32(1), jnp.int32(0)))

    k_row = lax.dot_general(k, eye[...], (((0,), (0,)), ((), ())),
                            precision=lax.Precision.HIGHEST,
                               preferred_element_type=jnp.float32)
    keep_out[pl.ds(j, 1)] = k_row.reshape(1, 1, B)

    c_row = lax.dot_general(k_row, tru[...], (((1,), (0,)), ((), ())),
                            precision=lax.Precision.HIGHEST,
                            preferred_element_type=jnp.float32)
    c_col = lax.dot_general(eye[...], c_row, (((1,), (1,)), ((), ())),
                            precision=lax.Precision.HIGHEST,
                            preferred_element_type=jnp.float32)
    qc = q // B
    off = q - qc * B
    pos = c_col - 1.0 + off.astype(jnp.float32)
    pos = jnp.where(pos >= float(B), pos - float(B), pos)
    lane_t = lax.broadcasted_iota(jnp.int32, (B, B), 1).astype(jnp.float32)
    combined = ((pos == lane_t) & (k > 0.0)).astype(jnp.float32)

    def compact(v_row):
        return lax.dot_general(v_row, combined, (((1,), (0,)), ((), ())),
                               precision=lax.Precision.HIGHEST,
                               preferred_element_type=jnp.float32)

    lane = lax.broadcasted_iota(jnp.int32, (1, B), 1)
    hi_mask = lane >= off
    for ref, v_row in ((llx1, x1jr), (lly1, y1jr), (llx2, x2jr), (lly2, y2jr)):
        rolled = compact(v_row)
        cur0 = ref[pl.ds(qc, 1)].reshape(1, B)
        ref[pl.ds(qc, 1)] = jnp.where(hi_mask, rolled, cur0).reshape(1, 1, B)
        cur1 = ref[pl.ds(qc + 1, 1)].reshape(1, B)
        ref[pl.ds(qc + 1, 1)] = jnp.where(
            hi_mask, cur1, rolled).reshape(1, 1, B)
    c_total = jnp.sum(k).astype(jnp.int32)
    qref[0] = q + c_total


def _nms_keep(bp):
    npad, _ = bp.shape
    nb = npad // B
    x1 = bp[:, 0].reshape(nb, 1, B)
    y1 = bp[:, 1].reshape(nb, 1, B)
    x2 = bp[:, 2].reshape(nb, 1, B)
    y2 = bp[:, 3].reshape(nb, 1, B)
    eye = jnp.eye(B, dtype=jnp.float32)
    tru = jnp.triu(jnp.ones((B, B), jnp.float32))
    full_r = pl.BlockSpec((nb, 1, B), lambda j: (0, 0, 0))
    full_e = pl.BlockSpec((B, B), lambda j: (0, 0))
    keep = pl.pallas_call(
        functools.partial(_nms_body, nb=nb),
        grid=(nb,),
        in_specs=[full_r, full_r, full_r, full_r, full_e, full_e],
        out_specs=full_r,
        out_shape=jax.ShapeDtypeStruct((nb, 1, B), jnp.float32),
        scratch_shapes=[pltpu.VMEM((nb + 1, 1, B), jnp.float32)
                        for _ in range(4)]
        + [pltpu.SMEM((1,), jnp.int32)],
    )(x1, y1, x2, y2, eye, tru)
    return keep.reshape(npad)


_SC_NW = 32
_SC_ROWS_PER_W = 640
_SC_CHUNK = 128
_SC_PAD = _SC_NW * _SC_ROWS_PER_W


def _sc_sorted_gather(table, idx):
    mesh = plsc.VectorSubcoreMesh(core_axis_name="c", subcore_axis_name="s")

    @functools.partial(
        pl.kernel, mesh=mesh,
        out_type=jax.ShapeDtypeStruct((_SC_PAD, 128), jnp.float32),
        scratch_types=[
            pltpu.VMEM((_SC_ROWS_PER_W,), jnp.int32),
            pltpu.VMEM((_SC_ROWS_PER_W, 128), jnp.float32),
            pltpu.SemaphoreType.DMA,
        ],
    )
    def gather_k(table_hbm, idx_hbm, out_hbm, idx_v, rows_v, sem):
        wid = lax.axis_index("s") * 2 + lax.axis_index("c")
        base = wid * _SC_ROWS_PER_W
        pltpu.sync_copy(idx_hbm.at[pl.ds(base, _SC_ROWS_PER_W)], idx_v)
        copies = [
            pltpu.async_copy(
                table_hbm.at[idx_v.at[pl.ds(c * _SC_CHUNK, _SC_CHUNK)]],
                rows_v.at[pl.ds(c * _SC_CHUNK, _SC_CHUNK)], sem)
            for c in range(_SC_ROWS_PER_W // _SC_CHUNK)
        ]
        for cp in copies:
            cp.wait()
        pltpu.sync_copy(rows_v, out_hbm.at[pl.ds(base, _SC_ROWS_PER_W)])

    return gather_k(table, idx)


def kernel(boxes, scores):
    n = boxes.shape[0]
    order = jnp.argsort(-scores)
    table = jnp.concatenate(
        [boxes, scores[:, None], jnp.zeros((n, 123), jnp.float32)], axis=1)
    idx = jnp.concatenate(
        [order.astype(jnp.int32),
         jnp.zeros((_SC_PAD - n,), jnp.int32)])
    sorted_rows = _sc_sorted_gather(table, idx)
    b = sorted_rows[:n, :4]
    s = sorted_rows[:n, 4]
    npad = ((n + B - 1) // B) * B
    pad = jnp.tile(jnp.array([[0.0, 0.0, -1.0, -1.0]], jnp.float32),
                   (npad - n, 1))
    bp = jnp.concatenate([b, pad], axis=0)
    keep = _nms_keep(bp)[:n]
    out = jnp.concatenate([b * keep[:, None], (s * keep)[:, None]], axis=1)
    return out

# --- scband reference (transcript-rebuilt; emitter-appended) ---
"""Pipeline reference for scband-mtcnn-73203422593621 (READ-ONLY COPY).

The authoritative reference and input builder live on the scoring server;
editing this copy changes nothing except your own understanding.
"""

import jax, jax.numpy as jnp
import numpy as np

N_BOXES = 20000
IOU_THRESH = 0.5


def setup_inputs(seed: int = 0) -> dict:
    key = jax.random.key(seed)
    k1, k2 = jax.random.split(key, 2)
    raw = jax.random.uniform(k1, (N_BOXES, 4), dtype=jnp.float32)
    x1 = raw[:, 0] * 960.0
    y1 = raw[:, 1] * 960.0
    x2 = x1 + raw[:, 2] * 96.0 + 4.0
    y2 = y1 + raw[:, 3] * 96.0 + 4.0
    boxes = jnp.stack([x1, y1, x2, y2], axis=1)
    scores = jax.random.uniform(k2, (N_BOXES,), dtype=jnp.float32)
    return {"boxes": boxes, "scores": scores}


def _greedy_nms_keep(b, iou_thresh):
    # Greedy hard-NMS identical in semantics to torchvision batched_nms on a
    # single image: iterate boxes in descending-score order, suppress any
    # lower-scored box whose IoU with a kept box exceeds the threshold.
    N = b.shape[0]
    x1, y1, x2, y2 = b[:, 0], b[:, 1], b[:, 2], b[:, 3]
    areas = jnp.maximum(x2 - x1, 0.0) * jnp.maximum(y2 - y1, 0.0)
    idx = jnp.arange(N)

    def body(i, keep):
        xx1 = jnp.maximum(x1[i], x1)
        yy1 = jnp.maximum(y1[i], y1)
        xx2 = jnp.minimum(x2[i], x2)
        yy2 = jnp.minimum(y2[i], y2)
        inter = jnp.maximum(xx2 - xx1, 0.0) * jnp.maximum(yy2 - yy1, 0.0)
        iou = inter / (areas[i] + areas - inter + 1e-12)
        suppress = (iou > iou_thresh) & (idx > i) & keep[i]
        return keep & (~suppress)

    keep = jax.lax.fori_loop(0, N, body, jnp.ones((N,), dtype=bool))
    return keep


def reference(boxes, scores):
    # Sort by descending score (gather), run greedy NMS, emit fixed-shape
    # output: kept boxes (zeroed where suppressed) concatenated with scores.
    order = jnp.argsort(-scores)
    b = jnp.take(boxes, order, axis=0)
    s = jnp.take(scores, order, axis=0)
    keep = _greedy_nms_keep(jax.lax.stop_gradient(b), IOU_THRESH)
    keep_f = keep.astype(b.dtype)
    out = jnp.concatenate([b * keep_f[:, None], (s * keep_f)[:, None]], axis=1)
    return out

if __name__ == "__main__":
    import jax
    _d = setup_inputs()
    print(jax.jit(kernel)(*tuple(_d.values())))

</pallas_src>

<mosaic_0001>
#map = affine_map<(d0, d1) -> (0, 0)>
#map1 = affine_map<(d0, d1) -> (0)>
module attributes {stable_mosaic.version = 14 : i64} {
  func.func @gather_k(%arg0: i32, %arg1: i32, %arg2: memref<20000x128xf32, #tpu.memory_space<hbm>>, %arg3: memref<20480xi32, #tpu.memory_space<hbm>>, %arg4: memref<20480x128xf32, #tpu.memory_space<hbm>>, %arg5: memref<640xi32, #tpu.memory_space<vmem>>, %arg6: memref<640x128xf32, #tpu.memory_space<vmem>>, %arg7: memref<!tpu.dma_semaphore, #tpu.memory_space<semaphore_mem>>) attributes {dimension_semantics = [#tpu.dimension_semantics<core_parallel>, #tpu.dimension_semantics<subcore_parallel>], iteration_bounds = array<i64: 2, 16>, scalar_prefetch = 0 : i64, scratch_operands = 3 : i64, tpu.core_type = #tpu.core_type<sc_vector_subcore>, window_params = [{transform_indices = #map}, {transform_indices = #map1}, {transform_indices = #map}]} {
    %mul3A = arith.constant 2 : i32
    %mul3A_0 = arith.muli %arg1, %mul3A : i32
    %add3A = arith.addi %mul3A_0, %arg0 : i32
    %mul3A_1 = arith.constant 640 : i32
    %mul3A_2 = arith.muli %add3A, %mul3A_1 : i32
    "tpu.region"() ({
      %run_scoped3A = tpu.sem_alloc : memref<!tpu.dma_semaphore, #tpu.memory_space<semaphore_mem>>
      %dma_start3A_81 = tpu.memref_slice %arg3[%mul3A_2] : memref<20480xi32, #tpu.memory_space<hbm>> -> memref<640xi32, #tpu.memory_space<hbm>>
      %dma_start3A_82 = tpu.memref_slice %arg3[%mul3A_2] : memref<20480xi32, #tpu.memory_space<hbm>> -> memref<640xi32, #tpu.memory_space<hbm>>
      tpu.enqueue_dma source(%dma_start3A_82 : memref<640xi32, #tpu.memory_space<hbm>>) target(%arg5 : memref<640xi32, #tpu.memory_space<vmem>>) target_semaphore(%run_scoped3A : memref<!tpu.dma_semaphore, #tpu.memory_space<semaphore_mem>>)
      %dma_wait3A_83 = tpu.memref_slice %arg3[%mul3A_2] : memref<20480xi32, #tpu.memory_space<hbm>> -> memref<640xi32, #tpu.memory_space<hbm>>
      %dma_wait3A_84 = tpu.memref_slice %arg3[%mul3A_2] : memref<20480xi32, #tpu.memory_space<hbm>> -> memref<640xi32, #tpu.memory_space<hbm>>
      tpu.wait_dma2 semaphore(%run_scoped3A : memref<!tpu.dma_semaphore, #tpu.memory_space<semaphore_mem>>) src(%dma_wait3A_84 : memref<640xi32, #tpu.memory_space<hbm>>) dst(%arg5 : memref<640xi32, #tpu.memory_space<vmem>>)
      tpu.yield
    }) : () -> ()
    %dma_start3A = arith.constant 0 : i32
    %dma_start3A_3 = arith.constant 0 : i32
    %dma_start3A_4 = tpu.memref_slice %arg6[%dma_start3A, %dma_start3A_3] : memref<640x128xf32, #tpu.memory_space<vmem>> -> memref<128x128xf32, #tpu.memory_space<vmem>>
    %dma_start3A_5 = arith.constant 0 : i32
    %dma_start3A_6 = tpu.memref_slice %arg5[%dma_start3A_5] : memref<640xi32, #tpu.memory_space<vmem>> -> memref<128xi32, #tpu.memory_space<vmem>>
    %dma_start3A_7 = arith.constant 0 : i32
    %dma_start3A_8 = arith.constant 0 : i32
    %dma_start3A_9 = tpu.memref_slice %arg2[%dma_start3A_7, %dma_start3A_8] : memref<20000x128xf32, #tpu.memory_space<hbm>> -> memref<20000x128xf32, #tpu.memory_space<hbm>>
    tpu.enqueue_indirect_dma source(%dma_start3A_9 : memref<20000x128xf32, #tpu.memory_space<hbm>>) target(%dma_start3A_4 : memref<128x128xf32, #tpu.memory_space<vmem>>) offsets(%dma_start3A_6 : memref<128xi32, #tpu.memory_space<vmem>>) semaphore(%arg7 : memref<!tpu.dma_semaphore, #tpu.memory_space<semaphore_mem>>)
    %dma_start3A_10 = arith.constant 128 : i32
    %dma_start3A_11 = arith.constant 0 : i32
    %dma_start3A_12 = tpu.memref_slice %arg6[%dma_start3A_10, %dma_start3A_11] : memref<640x128xf32, #tpu.memory_space<vmem>> -> memref<128x128xf32, #tpu.memory_space<vmem>>
    %dma_start3A_13 = arith.constant 128 : i32
    %dma_start3A_14 = tpu.memref_slice %arg5[%dma_start3A_13] : memref<640xi32, #tpu.memory_space<vmem>> -> memref<128xi32, #tpu.memory_space<vmem>>
    %dma_start3A_15 = arith.constant 0 : i32
    %dma_start3A_16 = arith.constant 0 : i32
    %dma_start3A_17 = tpu.memref_slice %arg2[%dma_start3A_15, %dma_start3A_16] : memref<20000x128xf32, #tpu.memory_space<hbm>> -> memref<20000x128xf32, #tpu.memory_space<hbm>>
    tpu.enqueue_indirect_dma source(%dma_start3A_17 : memref<20000x128xf32, #tpu.memory_space<hbm>>) target(%dma_start3A_12 : memref<128x128xf32, #tpu.memory_space<vmem>>) offsets(%dma_start3A_14 : memref<128xi32, #tpu.memory_space<vmem>>) semaphore(%arg7 : memref<!tpu.dma_semaphore, #tpu.memory_space<semaphore_mem>>)
    %dma_start3A_18 = arith.constant 256 : i32
    %dma_start3A_19 = arith.constant 0 : i32
    %dma_start3A_20 = tpu.memref_slice %arg6[%dma_start3A_18, %dma_start3A_19] : memref<640x128xf32, #tpu.memory_space<vmem>> -> memref<128x128xf32, #tpu.memory_space<vmem>>
    %dma_start3A_21 = arith.constant 256 : i32
    %dma_start3A_22 = tpu.memref_slice %arg5[%dma_start3A_21] : memref<640xi32, #tpu.memory_space<vmem>> -> memref<128xi32, #tpu.memory_space<vmem>>
    %dma_start3A_23 = arith.constant 0 : i32
    %dma_start3A_24 = arith.constant 0 : i32
    %dma_start3A_25 = tpu.memref_slice %arg2[%dma_start3A_23, %dma_start3A_24] : memref<20000x128xf32, #tpu.memory_space<hbm>> -> memref<20000x128xf32, #tpu.memory_space<hbm>>
    tpu.enqueue_indirect_dma source(%dma_start3A_25 : memref<20000x128xf32, #tpu.memory_space<hbm>>) target(%dma_start3A_20 : memref<128x128xf32, #tpu.memory_space<vmem>>) offsets(%dma_start3A_22 : memref<128xi32, #tpu.memory_space<vmem>>) semaphore(%arg7 : memref<!tpu.dma_semaphore, #tpu.memory_space<semaphore_mem>>)
    %dma_start3A_26 = arith.constant 384 : i32
    %dma_start3A_27 = arith.constant 0 : i32
    %dma_start3A_28 = tpu.memref_slice %arg6[%dma_start3A_26, %dma_start3A_27] : memref<640x128xf32, #tpu.memory_space<vmem>> -> memref<128x128xf32, #tpu.memory_space<vmem>>
    %dma_start3A_29 = arith.constant 384 : i32
    %dma_start3A_30 = tpu.memref_slice %arg5[%dma_start3A_29] : memref<640xi32, #tpu.memory_space<vmem>> -> memref<128xi32, #tpu.memory_space<vmem>>
    %dma_start3A_31 = arith.constant 0 : i32
    %dma_start3A_32 = arith.constant 0 : i32
    %dma_start3A_33 = tpu.memref_slice %arg2[%dma_start3A_31, %dma_start3A_32] : memref<20000x128xf32, #tpu.memory_space<hbm>> -> memref<20000x128xf32, #tpu.memory_space<hbm>>
    tpu.enqueue_indirect_dma source(%dma_start3A_33 : memref<20000x128xf32, #tpu.memory_space<hbm>>) target(%dma_start3A_28 : memref<128x128xf32, #tpu.memory_space<vmem>>) offsets(%dma_start3A_30 : memref<128xi32, #tpu.memory_space<vmem>>) semaphore(%arg7 : memref<!tpu.dma_semaphore, #tpu.memory_space<semaphore_mem>>)
    %dma_start3A_34 = arith.constant 512 : i32
    %dma_start3A_35 = arith.constant 0 : i32
    %dma_start3A_36 = tpu.memref_slice %arg6[%dma_start3A_34, %dma_start3A_35] : memref<640x128xf32, #tpu.memory_space<vmem>> -> memref<128x128xf32, #tpu.memory_space<vmem>>
    %dma_start3A_37 = arith.constant 512 : i32
    %dma_start3A_38 = tpu.memref_slice %arg5[%dma_start3A_37] : memref<640xi32, #tpu.memory_space<vmem>> -> memref<128xi32, #tpu.memory_space<vmem>>
    %dma_start3A_39 = arith.constant 0 : i32
    %dma_start3A_40 = arith.constant 0 : i32
    %dma_start3A_41 = tpu.memref_slice %arg2[%dma_start3A_39, %dma_start3A_40] : memref<20000x128xf32, #tpu.memory_space<hbm>> -> memref<20000x128xf32, #tpu.memory_space<hbm>>
    tpu.enqueue_indirect_dma source(%dma_start3A_41 : memref<20000x128xf32, #tpu.memory_space<hbm>>) target(%dma_start3A_36 : memref<128x128xf32, #tpu.memory_space<vmem>>) offsets(%dma_start3A_38 : memref<128xi32, #tpu.memory_space<vmem>>) semaphore(%arg7 : memref<!tpu.dma_semaphore, #tpu.memory_space<semaphore_mem>>)
    %dma_wait3A = arith.constant 0 : i32
    %dma_wait3A_42 = arith.constant 0 : i32
    %dma_wait3A_43 = tpu.memref_slice %arg6[%dma_wait3A, %dma_wait3A_42] : memref<640x128xf32, #tpu.memory_space<vmem>> -> memref<128x128xf32, #tpu.memory_space<vmem>>
    %dma_wait3A_44 = arith.constant 0 : i32
    %dma_wait3A_45 = tpu.memref_slice %arg5[%dma_wait3A_44] : memref<640xi32, #tpu.memory_space<vmem>> -> memref<128xi32, #tpu.memory_space<vmem>>
    %dma_wait3A_46 = arith.constant 0 : i32
    %dma_wait3A_47 = arith.constant 0 : i32
    %dma_wait3A_48 = tpu.memref_slice %arg2[%dma_wait3A_46, %dma_wait3A_47] : memref<20000x128xf32, #tpu.memory_space<hbm>> -> memref<20000x128xf32, #tpu.memory_space<hbm>>
    tpu.wait_indirect_dma semaphore(%arg7 : memref<!tpu.dma_semaphore, #tpu.memory_space<semaphore_mem>>) src(%dma_wait3A_48 : memref<20000x128xf32, #tpu.memory_space<hbm>>) dst(%dma_wait3A_43 : memref<128x128xf32, #tpu.memory_space<vmem>>)
    %dma_wait3A_49 = arith.constant 128 : i32
    %dma_wait3A_50 = arith.constant 0 : i32
    %dma_wait3A_51 = tpu.memref_slice %arg6[%dma_wait3A_49, %dma_wait3A_50] : memref<640x128xf32, #tpu.memory_space<vmem>> -> memref<128x128xf32, #tpu.memory_space<vmem>>
    %dma_wait3A_52 = arith.constant 128 : i32
    %dma_wait3A_53 = tpu.memref_slice %arg5[%dma_wait3A_52] : memref<640xi32, #tpu.memory_space<vmem>> -> memref<128xi32, #tpu.memory_space<vmem>>
    %dma_wait3A_54 = arith.constant 0 : i32
    %dma_wait3A_55 = arith.constant 0 : i32
    %dma_wait3A_56 = tpu.memref_slice %arg2[%dma_wait3A_54, %dma_wait3A_55] : memref<20000x128xf32, #tpu.memory_space<hbm>> -> memref<20000x128xf32, #tpu.memory_space<hbm>>
    tpu.wait_indirect_dma semaphore(%arg7 : memref<!tpu.dma_semaphore, #tpu.memory_space<semaphore_mem>>) src(%dma_wait3A_56 : memref<20000x128xf32, #tpu.memory_space<hbm>>) dst(%dma_wait3A_51 : memref<128x128xf32, #tpu.memory_space<vmem>>)
    %dma_wait3A_57 = arith.constant 256 : i32
    %dma_wait3A_58 = arith.constant 0 : i32
    %dma_wait3A_59 = tpu.memref_slice %arg6[%dma_wait3A_57, %dma_wait3A_58] : memref<640x128xf32, #tpu.memory_space<vmem>> -> memref<128x128xf32, #tpu.memory_space<vmem>>
    %dma_wait3A_60 = arith.constant 256 : i32
    %dma_wait3A_61 = tpu.memref_slice %arg5[%dma_wait3A_60] : memref<640xi32, #tpu.memory_space<vmem>> -> memref<128xi32, #tpu.memory_space<vmem>>
    %dma_wait3A_62 = arith.constant 0 : i32
    %dma_wait3A_63 = arith.constant 0 : i32
    %dma_wait3A_64 = tpu.memref_slice %arg2[%dma_wait3A_62, %dma_wait3A_63] : memref<20000x128xf32, #tpu.memory_space<hbm>> -> memref<20000x128xf32, #tpu.memory_space<hbm>>
    tpu.wait_indirect_dma semaphore(%arg7 : memref<!tpu.dma_semaphore, #tpu.memory_space<semaphore_mem>>) src(%dma_wait3A_64 : memref<20000x128xf32, #tpu.memory_space<hbm>>) dst(%dma_wait3A_59 : memref<128x128xf32, #tpu.memory_space<vmem>>)
    %dma_wait3A_65 = arith.constant 384 : i32
    %dma_wait3A_66 = arith.constant 0 : i32
    %dma_wait3A_67 = tpu.memref_slice %arg6[%dma_wait3A_65, %dma_wait3A_66] : memref<640x128xf32, #tpu.memory_space<vmem>> -> memref<128x128xf32, #tpu.memory_space<vmem>>
    %dma_wait3A_68 = arith.constant 384 : i32
    %dma_wait3A_69 = tpu.memref_slice %arg5[%dma_wait3A_68] : memref<640xi32, #tpu.memory_space<vmem>> -> memref<128xi32, #tpu.memory_space<vmem>>
    %dma_wait3A_70 = arith.constant 0 : i32
    %dma_wait3A_71 = arith.constant 0 : i32
    %dma_wait3A_72 = tpu.memref_slice %arg2[%dma_wait3A_70, %dma_wait3A_71] : memref<20000x128xf32, #tpu.memory_space<hbm>> -> memref<20000x128xf32, #tpu.memory_space<hbm>>
    tpu.wait_indirect_dma semaphore(%arg7 : memref<!tpu.dma_semaphore, #tpu.memory_space<semaphore_mem>>) src(%dma_wait3A_72 : memref<20000x128xf32, #tpu.memory_space<hbm>>) dst(%dma_wait3A_67 : memref<128x128xf32, #tpu.memory_space<vmem>>)
    %dma_wait3A_73 = arith.constant 512 : i32
    %dma_wait3A_74 = arith.constant 0 : i32
    %dma_wait3A_75 = tpu.memref_slice %arg6[%dma_wait3A_73, %dma_wait3A_74] : memref<640x128xf32, #tpu.memory_space<vmem>> -> memref<128x128xf32, #tpu.memory_space<vmem>>
    %dma_wait3A_76 = arith.constant 512 : i32
    %dma_wait3A_77 = tpu.memref_slice %arg5[%dma_wait3A_76] : memref<640xi32, #tpu.memory_space<vmem>> -> memref<128xi32, #tpu.memory_space<vmem>>
    %dma_wait3A_78 = arith.constant 0 : i32
    %dma_wait3A_79 = arith.constant 0 : i32
    %dma_wait3A_80 = tpu.memref_slice %arg2[%dma_wait3A_78, %dma_wait3A_79] : memref<20000x128xf32, #tpu.memory_space<hbm>> -> memref<20000x128xf32, #tpu.memory_space<hbm>>
    tpu.wait_indirect_dma semaphore(%arg7 : memref<!tpu.dma_semaphore, #tpu.memory_space<semaphore_mem>>) src(%dma_wait3A_80 : memref<20000x128xf32, #tpu.memory_space<hbm>>) dst(%dma_wait3A_75 : memref<128x128xf32, #tpu.memory_space<vmem>>)
    "tpu.region"() ({
      %run_scoped3A = tpu.sem_alloc : memref<!tpu.dma_semaphore, #tpu.memory_space<semaphore_mem>>
      %dma_start3A_81 = arith.constant 0 : i32
      %dma_start3A_82 = tpu.memref_slice %arg4[%mul3A_2, %dma_start3A_81] : memref<20480x128xf32, #tpu.memory_space<hbm>> -> memref<640x128xf32, #tpu.memory_space<hbm>>
      %dma_start3A_83 = arith.constant 0 : i32
      %dma_start3A_84 = tpu.memref_slice %arg4[%mul3A_2, %dma_start3A_83] : memref<20480x128xf32, #tpu.memory_space<hbm>> -> memref<640x128xf32, #tpu.memory_space<hbm>>
      tpu.enqueue_dma source(%arg6 : memref<640x128xf32, #tpu.memory_space<vmem>>) target(%dma_start3A_84 : memref<640x128xf32, #tpu.memory_space<hbm>>) target_semaphore(%run_scoped3A : memref<!tpu.dma_semaphore, #tpu.memory_space<semaphore_mem>>)
      %dma_wait3A_85 = arith.constant 0 : i32
      %dma_wait3A_86 = tpu.memref_slice %arg4[%mul3A_2, %dma_wait3A_85] : memref<20480x128xf32, #tpu.memory_space<hbm>> -> memref<640x128xf32, #tpu.memory_space<hbm>>
      %dma_wait3A_87 = arith.constant 0 : i32
      %dma_wait3A_88 = tpu.memref_slice %arg4[%mul3A_2, %dma_wait3A_87] : memref<20480x128xf32, #tpu.memory_space<hbm>> -> memref<640x128xf32, #tpu.memory_space<hbm>>
      tpu.wait_dma2 semaphore(%run_scoped3A : memref<!tpu.dma_semaphore, #tpu.memory_space<semaphore_mem>>) src(%arg6 : memref<640x128xf32, #tpu.memory_space<vmem>>) dst(%dma_wait3A_88 : memref<640x128xf32, #tpu.memory_space<hbm>>)
      tpu.yield
    }) : () -> ()
    return
  }
}

module attributes {stable_mosaic.version = 14 : i64} {
  func.func @_nms_body(%arg0: i32, %arg1: memref<20x1x1024xf32, #tpu.memory_space<vmem>>, %arg2: memref<20x1x1024xf32, #tpu.memory_space<vmem>>, %arg3: memref<20x1x1024xf32, #tpu.memory_space<vmem>>, %arg4: memref<20x1x1024xf32, #tpu.memory_space<vmem>>, %arg5: memref<1024x1024xf32, #tpu.memory_space<vmem>>, %arg6: memref<1024x1024xf32, #tpu.memory_space<vmem>>, %arg7: memref<20x1x1024xf32, #tpu.memory_space<vmem>>, %arg8: memref<21x1x1024xf32, #tpu.memory_space<vmem>>, %arg9: memref<21x1x1024xf32, #tpu.memory_space<vmem>>, %arg10: memref<21x1x1024xf32, #tpu.memory_space<vmem>>, %arg11: memref<21x1x1024xf32, #tpu.memory_space<vmem>>, %arg12: memref<1xi32, #tpu.memory_space<smem>>) attributes {dimension_semantics = [#tpu.dimension_semantics<arbitrary>], iteration_bounds = array<i64: 20>, scalar_prefetch = 0 : i64, scratch_operands = 5 : i64, tpu.core_type = #tpu.core_type<tc>, window_params = [{pipeline_mode = #tpu.pipeline_mode<synchronous>, transform_indices = @transform_0, window_bounds = array<i64: 20, 1, 1024>}, {pipeline_mode = #tpu.pipeline_mode<synchronous>, transform_indices = @transform_1, window_bounds = array<i64: 20, 1, 1024>}, {pipeline_mode = #tpu.pipeline_mode<synchronous>, transform_indices = @transform_2, window_bounds = array<i64: 20, 1, 1024>}, {pipeline_mode = #tpu.pipeline_mode<synchronous>, transform_indices = @transform_3, window_bounds = array<i64: 20, 1, 1024>}, {pipeline_mode = #tpu.pipeline_mode<synchronous>, transform_indices = @transform_4, window_bounds = array<i64: 1024, 1024>}, {pipeline_mode = #tpu.pipeline_mode<synchronous>, transform_indices = @transform_5, window_bounds = array<i64: 1024, 1024>}, {pipeline_mode = #tpu.pipeline_mode<synchronous>, transform_indices = @transform_6, window_bounds = array<i64: 20, 1, 1024>}]} {
    %eq3A = arith.constant 0 : i32
    %eq3A_0 = arith.cmpi eq, %arg0, %eq3A : i32
    %convert_element_type3A = arith.extui %eq3A_0 : i1 to i32
    %cond3A = arith.constant 0 : i32
    %cond3A_1 = arith.cmpi ne, %convert_element_type3A, %cond3A : i32
    scf.if %cond3A_1 {
      %swap3A_319 = arith.constant 0 : i32
      %swap3A_320 = arith.constant 0 : index
      %swap3A_321 = memref.load %arg12[%swap3A_320] : memref<1xi32, #tpu.memory_space<smem>>
      memref.store %swap3A_319, %arg12[%swap3A_320] : memref<1xi32, #tpu.memory_space<smem>>
    } else {
    }
    %get3A = arith.index_cast %arg0 : i32 to index
    %get3A_2 = arith.constant 0 : index
    %get3A_3 = arith.constant 0 : index
    %get3A_4 = vector.load %arg1[%get3A, %get3A_2, %get3A_3] : memref<20x1x1024xf32, #tpu.memory_space<vmem>>, vector<1x1x1024xf32>
    %reshape3A = vector.shape_cast %get3A_4 : vector<1x1x1024xf32> to vector<1x1024xf32>
    %get3A_5 = arith.index_cast %arg0 : i32 to index
    %get3A_6 = arith.constant 0 : index
    %get3A_7 = arith.constant 0 : index
    %get3A_8 = vector.load %arg2[%get3A_5, %get3A_6, %get3A_7] : memref<20x1x1024xf32, #tpu.memory_space<vmem>>, vector<1x1x1024xf32>
    %reshape3A_9 = vector.shape_cast %get3A_8 : vector<1x1x1024xf32> to vector<1x1024xf32>
    %get3A_10 = arith.index_cast %arg0 : i32 to index
    %get3A_11 = arith.constant 0 : index
    %get3A_12 = arith.constant 0 : index
    %get3A_13 = vector.load %arg3[%get3A_10, %get3A_11, %get3A_12] : memref<20x1x1024xf32, #tpu.memory_space<vmem>>, vector<1x1x1024xf32>
    %reshape3A_14 = vector.shape_cast %get3A_13 : vector<1x1x1024xf32> to vector<1x1024xf32>
    %get3A_15 = arith.index_cast %arg0 : i32 to index
    %get3A_16 = arith.constant 0 : index
    %get3A_17 = arith.constant 0 : index
    %get3A_18 = vector.load %arg4[%get3A_15, %get3A_16, %get3A_17] : memref<20x1x1024xf32, #tpu.memory_space<vmem>>, vector<1x1x1024xf32>
    %reshape3A_19 = vector.shape_cast %get3A_18 : vector<1x1x1024xf32> to vector<1x1024xf32>
    %get3A_20 = arith.constant 0 : index
    %get3A_21 = arith.constant 0 : index
    %get3A_22 = vector.load %arg5[%get3A_20, %get3A_21] : memref<1024x1024xf32, #tpu.memory_space<vmem>>, vector<1024x1024xf32>
    %dot_general3A = arith.constant dense<0.000000e+00> : vector<1024x1xf32>
    %dot_general3A_23 = tpu.matmul %get3A_22, %reshape3A, %dot_general3A {dimension_numbers = #tpu.dot_dimension_numbers<[1], [1], [0], [0], [0, 0, 1, 0], [], []>, precision = #tpu.contract_precision<fp32>, transpose_lhs_hint = false} : vector<1024x1024xf32>, vector<1x1024xf32>, vector<1024x1xf32> -> vector<1024x1xf32>
    %get3A_24 = arith.constant 0 : index
    %get3A_25 = arith.constant 0 : index
    %get3A_26 = vector.load %arg5[%get3A_24, %get3A_25] : memref<1024x1024xf32, #tpu.memory_space<vmem>>, vector<1024x1024xf32>
    %dot_general3A_27 = arith.constant dense<0.000000e+00> : vector<1024x1xf32>
    %dot_general3A_28 = tpu.matmul %get3A_26, %reshape3A_9, %dot_general3A_27 {dimension_numbers = #tpu.dot_dimension_numbers<[1], [1], [0], [0], [0, 0, 1, 0], [], []>, precision = #tpu.contract_precision<fp32>, transpose_lhs_hint = false} : vector<1024x1024xf32>, vector<1x1024xf32>, vector<1024x1xf32> -> vector<1024x1xf32>
    %get3A_29 = arith.constant 0 : index
    %get3A_30 = arith.constant 0 : index
    %get3A_31 = vector.load %arg5[%get3A_29, %get3A_30] : memref<1024x1024xf32, #tpu.memory_space<vmem>>, vector<1024x1024xf32>
    %dot_general3A_32 = arith.constant dense<0.000000e+00> : vector<1024x1xf32>
    %dot_general3A_33 = tpu.matmul %get3A_31, %reshape3A_14, %dot_general3A_32 {dimension_numbers = #tpu.dot_dimension_numbers<[1], [1], [0], [0], [0, 0, 1, 0], [], []>, precision = #tpu.contract_precision<fp32>, transpose_lhs_hint = false} : vector<1024x1024xf32>, vector<1x1024xf32>, vector<1024x1xf32> -> vector<1024x1xf32>
    %get3A_34 = arith.constant 0 : index
    %get3A_35 = arith.constant 0 : index
    %get3A_36 = vector.load %arg5[%get3A_34, %get3A_35] : memref<1024x1024xf32, #tpu.memory_space<vmem>>, vector<1024x1024xf32>
    %dot_general3A_37 = arith.constant dense<0.000000e+00> : vector<1024x1xf32>
    %dot_general3A_38 = tpu.matmul %get3A_36, %reshape3A_19, %dot_general3A_37 {dimension_numbers = #tpu.dot_dimension_numbers<[1], [1], [0], [0], [0, 0, 1, 0], [], []>, precision = #tpu.contract_precision<fp32>, transpose_lhs_hint = false} : vector<1024x1024xf32>, vector<1x1024xf32>, vector<1024x1xf32> -> vector<1024x1xf32>
    %sub3A = arith.subf %dot_general3A_33, %dot_general3A_23 : vector<1024x1xf32>
    %max3A = arith.constant 0.000000e+00 : f32
    %max3A_39 = vector.broadcast %max3A : f32 to vector<1024x1xf32>
    %max3A_40 = arith.maximumf %sub3A, %max3A_39 : vector<1024x1xf32>
    %sub3A_41 = arith.subf %dot_general3A_38, %dot_general3A_28 : vector<1024x1xf32>
    %max3A_42 = arith.constant 0.000000e+00 : f32
    %max3A_43 = vector.broadcast %max3A_42 : f32 to vector<1024x1xf32>
    %max3A_44 = arith.maximumf %sub3A_41, %max3A_43 : vector<1024x1xf32>
    %mul3A = arith.mulf %max3A_40, %max3A_44 : vector<1024x1xf32>
    %get3A_45 = arith.constant 0 : index
    %get3A_46 = memref.load %arg12[%get3A_45] : memref<1xi32, #tpu.memory_space<smem>>
    %add3A = arith.constant 1024 : i32
    %add3A_47 = arith.addi %get3A_46, %add3A : i32
    %sub3A_48 = arith.constant 1 : i32
    %sub3A_49 = arith.subi %add3A_47, %sub3A_48 : i32
    %jit3A = arith.constant 1024 : i32
    %div3A = arith.divsi %sub3A_49, %jit3A : i32
    %sign3A = arith.constant 0 : i32
    %sign3A_50 = arith.cmpi sgt, %sub3A_49, %sign3A : i32
    %sign3A_51 = arith.extui %sign3A_50 : i1 to i32
    %sign3A_52 = arith.constant 0 : i32
    %sign3A_53 = arith.cmpi slt, %sub3A_49, %sign3A_52 : i32
    %sign3A_54 = arith.extui %sign3A_53 : i1 to i32
    %sign3A_55 = arith.subi %sign3A_51, %sign3A_54 : i32
    %sign3A_56 = arith.constant 0 : i32
    %sign3A_57 = arith.cmpi sgt, %jit3A, %sign3A_56 : i32
    %sign3A_58 = arith.extui %sign3A_57 : i1 to i32
    %sign3A_59 = arith.constant 0 : i32
    %sign3A_60 = arith.cmpi slt, %jit3A, %sign3A_59 : i32
    %sign3A_61 = arith.extui %sign3A_60 : i1 to i32
    %sign3A_62 = arith.subi %sign3A_58, %sign3A_61 : i32
    %ne3A = arith.cmpi ne, %sign3A_55, %sign3A_62 : i32
    %rem3A = arith.remsi %sub3A_49, %jit3A : i32
    %ne3A_63 = arith.constant 0 : i32
    %ne3A_64 = arith.cmpi ne, %rem3A, %ne3A_63 : i32
    %and3A = arith.andi %ne3A, %ne3A_64 : i1
    %sub3A_65 = arith.constant 1 : i32
    %sub3A_66 = arith.subi %div3A, %sub3A_65 : i32
    %select_n3A = arith.select %and3A, %sub3A_66, %div3A : i32
    %broadcast_in_dim3A = arith.constant 0.000000e+00 : f32
    %broadcast_in_dim3A_67 = vector.broadcast %broadcast_in_dim3A : f32 to vector<1024x1xf32>
    %while3A = arith.constant 0 : i32
    %while3A_68 = arith.subi %select_n3A, %while3A : i32
    %while3A_69 = arith.addi %while3A, %while3A_68 : i32
    %while3A_70 = arith.constant 1 : i32
    %while3A_71 = arith.divsi %while3A_68, %while3A_70 : i32
    %while3A_72 = arith.muli %while3A_71, %while3A_70 : i32
    %while3A_73 = arith.addi %while3A, %while3A_72 : i32
    %while3A_74 = arith.constant 1 : i32
    %while3A_75 = scf.for %while3A_319 = %while3A to %while3A_73 step %while3A_74 iter_args(%while3A_320 = %broadcast_in_dim3A_67) -> (vector<1024x1xf32>)  : i32 {
      %get3A_321 = arith.index_cast %while3A_319 : i32 to index
      %get3A_322 = arith.constant 0 : index
      %get3A_323 = arith.constant 0 : index
      %get3A_324 = vector.load %arg8[%get3A_321, %get3A_322, %get3A_323] : memref<21x1x1024xf32, #tpu.memory_space<vmem>>, vector<1x1x1024xf32>
      %reshape3A_325 = vector.shape_cast %get3A_324 : vector<1x1x1024xf32> to vector<1x1024xf32>
      %get3A_326 = arith.index_cast %while3A_319 : i32 to index
      %get3A_327 = arith.constant 0 : index
      %get3A_328 = arith.constant 0 : index
      %get3A_329 = vector.load %arg9[%get3A_326, %get3A_327, %get3A_328] : memref<21x1x1024xf32, #tpu.memory_space<vmem>>, vector<1x1x1024xf32>
      %reshape3A_330 = vector.shape_cast %get3A_329 : vector<1x1x1024xf32> to vector<1x1024xf32>
      %get3A_331 = arith.index_cast %while3A_319 : i32 to index
      %get3A_332 = arith.constant 0 : index
      %get3A_333 = arith.constant 0 : index
      %get3A_334 = vector.load %arg10[%get3A_331, %get3A_332, %get3A_333] : memref<21x1x1024xf32, #tpu.memory_space<vmem>>, vector<1x1x1024xf32>
      %reshape3A_335 = vector.shape_cast %get3A_334 : vector<1x1x1024xf32> to vector<1x1024xf32>
      %get3A_336 = arith.index_cast %while3A_319 : i32 to index
      %get3A_337 = arith.constant 0 : index
      %get3A_338 = arith.constant 0 : index
      %get3A_339 = vector.load %arg11[%get3A_336, %get3A_337, %get3A_338] : memref<21x1x1024xf32, #tpu.memory_space<vmem>>, vector<1x1x1024xf32>
      %reshape3A_340 = vector.shape_cast %get3A_339 : vector<1x1x1024xf32> to vector<1x1024xf32>
      %sub3A_341 = arith.subf %reshape3A_335, %reshape3A_325 : vector<1x1024xf32>
      %max3A_342 = arith.constant 0.000000e+00 : f32
      %max3A_343 = vector.broadcast %max3A_342 : f32 to vector<1x1024xf32>
      %max3A_344 = arith.maximumf %sub3A_341, %max3A_343 : vector<1x1024xf32>
      %sub3A_345 = arith.subf %reshape3A_340, %reshape3A_330 : vector<1x1024xf32>
      %max3A_346 = arith.constant 0.000000e+00 : f32
      %max3A_347 = vector.broadcast %max3A_346 : f32 to vector<1x1024xf32>
      %max3A_348 = arith.maximumf %sub3A_345, %max3A_347 : vector<1x1024xf32>
      %mul3A_349 = arith.mulf %max3A_344, %max3A_348 : vector<1x1024xf32>
      %min3A_350 = vector.broadcast %reshape3A_335 : vector<1x1024xf32> to vector<1024x1024xf32>
      %min3A_351 = vector.broadcast %dot_general3A_33 : vector<1024x1xf32> to vector<1024x1024xf32>
      %min3A_352 = arith.minimumf %min3A_350, %min3A_351 : vector<1024x1024xf32>
      %max3A_353 = vector.broadcast %reshape3A_325 : vector<1x1024xf32> to vector<1024x1024xf32>
      %max3A_354 = vector.broadcast %dot_general3A_23 : vector<1024x1xf32> to vector<1024x1024xf32>
      %max3A_355 = arith.maximumf %max3A_353, %max3A_354 : vector<1024x1024xf32>
      %sub3A_356 = arith.subf %min3A_352, %max3A_355 : vector<1024x1024xf32>
      %max3A_357 = arith.constant 0.000000e+00 : f32
      %max3A_358 = vector.broadcast %max3A_357 : f32 to vector<1024x1024xf32>
      %max3A_359 = arith.maximumf %sub3A_356, %max3A_358 : vector<1024x1024xf32>
      %min3A_360 = vector.broadcast %reshape3A_340 : vector<1x1024xf32> to vector<1024x1024xf32>
      %min3A_361 = vector.broadcast %dot_general3A_38 : vector<1024x1xf32> to vector<1024x1024xf32>
      %min3A_362 = arith.minimumf %min3A_360, %min3A_361 : vector<1024x1024xf32>
      %max3A_363 = vector.broadcast %reshape3A_330 : vector<1x1024xf32> to vector<1024x1024xf32>
      %max3A_364 = vector.broadcast %dot_general3A_28 : vector<1024x1xf32> to vector<1024x1024xf32>
      %max3A_365 = arith.maximumf %max3A_363, %max3A_364 : vector<1024x1024xf32>
      %sub3A_366 = arith.subf %min3A_362, %max3A_365 : vector<1024x1024xf32>
      %max3A_367 = arith.constant 0.000000e+00 : f32
      %max3A_368 = vector.broadcast %max3A_367 : f32 to vector<1024x1024xf32>
      %max3A_369 = arith.maximumf %sub3A_366, %max3A_368 : vector<1024x1024xf32>
      %mul3A_370 = arith.mulf %max3A_359, %max3A_369 : vector<1024x1024xf32>
      %add3A_371 = vector.broadcast %mul3A_349 : vector<1x1024xf32> to vector<1024x1024xf32>
      %add3A_372 = vector.broadcast %mul3A : vector<1024x1xf32> to vector<1024x1024xf32>
      %add3A_373 = arith.addf %add3A_371, %add3A_372 : vector<1024x1024xf32>
      %sub3A_374 = arith.subf %add3A_373, %mul3A_370 : vector<1024x1024xf32>
      %add3A_375 = arith.constant 9.99999996E-13 : f32
      %add3A_376 = vector.broadcast %add3A_375 : f32 to vector<1024x1024xf32>
      %add3A_377 = arith.addf %sub3A_374, %add3A_376 : vector<1024x1024xf32>
      %div3A_378 = arith.divf %mul3A_370, %add3A_377 : vector<1024x1024xf32>
      %gt3A_379 = arith.constant 5.000000e-01 : f32
      %gt3A_380 = vector.broadcast %gt3A_379 : f32 to vector<1024x1024xf32>
      %gt3A_381 = arith.cmpf ogt, %div3A_378, %gt3A_380 : vector<1024x1024xf32>
      %convert_element_type3A_382 = arith.extui %gt3A_381 : vector<1024x1024xi1> to vector<1024x1024xi32>
      %convert_element_type3A_383 = arith.sitofp %convert_element_type3A_382 : vector<1024x1024xi32> to vector<1024x1024xf32>
      %reduce_max3A = arith.constant dense<0xFF800000> : vector<1024xf32>
      %reduce_max3A_384 = vector.multi_reduction <maximumf>, %convert_element_type3A_383, %reduce_max3A [1] : vector<1024x1024xf32> to vector<1024xf32>
      %broadcast_in_dim3A_385 = vector.shape_cast %reduce_max3A_384 : vector<1024xf32> to vector<1024x1xf32>
      %max3A_386 = arith.maximumf %while3A_320, %broadcast_in_dim3A_385 : vector<1024x1xf32>
      scf.yield %max3A_386 : vector<1024x1xf32>
    }
    %while3A_76 = arith.constant 1 : i32
    %while3A_77 = scf.for %while3A_319 = %while3A_73 to %while3A_69 step %while3A_76 iter_args(%while3A_320 = %while3A_75) -> (vector<1024x1xf32>)  : i32 {
      %get3A_321 = arith.index_cast %while3A_319 : i32 to index
      %get3A_322 = arith.constant 0 : index
      %get3A_323 = arith.constant 0 : index
      %get3A_324 = vector.load %arg8[%get3A_321, %get3A_322, %get3A_323] : memref<21x1x1024xf32, #tpu.memory_space<vmem>>, vector<1x1x1024xf32>
      %reshape3A_325 = vector.shape_cast %get3A_324 : vector<1x1x1024xf32> to vector<1x1024xf32>
      %get3A_326 = arith.index_cast %while3A_319 : i32 to index
      %get3A_327 = arith.constant 0 : index
      %get3A_328 = arith.constant 0 : index
      %get3A_329 = vector.load %arg9[%get3A_326, %get3A_327, %get3A_328] : memref<21x1x1024xf32, #tpu.memory_space<vmem>>, vector<1x1x1024xf32>
      %reshape3A_330 = vector.shape_cast %get3A_329 : vector<1x1x1024xf32> to vector<1x1024xf32>
      %get3A_331 = arith.index_cast %while3A_319 : i32 to index
      %get3A_332 = arith.constant 0 : index
      %get3A_333 = arith.constant 0 : index
      %get3A_334 = vector.load %arg10[%get3A_331, %get3A_332, %get3A_333] : memref<21x1x1024xf32, #tpu.memory_space<vmem>>, vector<1x1x1024xf32>
      %reshape3A_335 = vector.shape_cast %get3A_334 : vector<1x1x1024xf32> to vector<1x1024xf32>
      %get3A_336 = arith.index_cast %while3A_319 : i32 to index
      %get3A_337 = arith.constant 0 : index
      %get3A_338 = arith.constant 0 : index
      %get3A_339 = vector.load %arg11[%get3A_336, %get3A_337, %get3A_338] : memref<21x1x1024xf32, #tpu.memory_space<vmem>>, vector<1x1x1024xf32>
      %reshape3A_340 = vector.shape_cast %get3A_339 : vector<1x1x1024xf32> to vector<1x1024xf32>
      %sub3A_341 = arith.subf %reshape3A_335, %reshape3A_325 : vector<1x1024xf32>
      %max3A_342 = arith.constant 0.000000e+00 : f32
      %max3A_343 = vector.broadcast %max3A_342 : f32 to vector<1x1024xf32>
      %max3A_344 = arith.maximumf %sub3A_341, %max3A_343 : vector<1x1024xf32>
      %sub3A_345 = arith.subf %reshape3A_340, %reshape3A_330 : vector<1x1024xf32>
      %max3A_346 = arith.constant 0.000000e+00 : f32
      %max3A_347 = vector.broadcast %max3A_346 : f32 to vector<1x1024xf32>
      %max3A_348 = arith.maximumf %sub3A_345, %max3A_347 : vector<1x1024xf32>
      %mul3A_349 = arith.mulf %max3A_344, %max3A_348 : vector<1x1024xf32>
      %min3A_350 = vector.broadcast %reshape3A_335 : vector<1x1024xf32> to vector<1024x1024xf32>
      %min3A_351 = vector.broadcast %dot_general3A_33 : vector<1024x1xf32> to vector<1024x1024xf32>
      %min3A_352 = arith.minimumf %min3A_350, %min3A_351 : vector<1024x1024xf32>
      %max3A_353 = vector.broadcast %reshape3A_325 : vector<1x1024xf32> to vector<1024x1024xf32>
      %max3A_354 = vector.broadcast %dot_general3A_23 : vector<1024x1xf32> to vector<1024x1024xf32>
      %max3A_355 = arith.maximumf %max3A_353, %max3A_354 : vector<1024x1024xf32>
      %sub3A_356 = arith.subf %min3A_352, %max3A_355 : vector<1024x1024xf32>
      %max3A_357 = arith.constant 0.000000e+00 : f32
      %max3A_358 = vector.broadcast %max3A_357 : f32 to vector<1024x1024xf32>
      %max3A_359 = arith.maximumf %sub3A_356, %max3A_358 : vector<1024x1024xf32>
      %min3A_360 = vector.broadcast %reshape3A_340 : vector<1x1024xf32> to vector<1024x1024xf32>
      %min3A_361 = vector.broadcast %dot_general3A_38 : vector<1024x1xf32> to vector<1024x1024xf32>
      %min3A_362 = arith.minimumf %min3A_360, %min3A_361 : vector<1024x1024xf32>
      %max3A_363 = vector.broadcast %reshape3A_330 : vector<1x1024xf32> to vector<1024x1024xf32>
      %max3A_364 = vector.broadcast %dot_general3A_28 : vector<1024x1xf32> to vector<1024x1024xf32>
      %max3A_365 = arith.maximumf %max3A_363, %max3A_364 : vector<1024x1024xf32>
      %sub3A_366 = arith.subf %min3A_362, %max3A_365 : vector<1024x1024xf32>
      %max3A_367 = arith.constant 0.000000e+00 : f32
      %max3A_368 = vector.broadcast %max3A_367 : f32 to vector<1024x1024xf32>
      %max3A_369 = arith.maximumf %sub3A_366, %max3A_368 : vector<1024x1024xf32>
      %mul3A_370 = arith.mulf %max3A_359, %max3A_369 : vector<1024x1024xf32>
      %add3A_371 = vector.broadcast %mul3A_349 : vector<1x1024xf32> to vector<1024x1024xf32>
      %add3A_372 = vector.broadcast %mul3A : vector<1024x1xf32> to vector<1024x1024xf32>
      %add3A_373 = arith.addf %add3A_371, %add3A_372 : vector<1024x1024xf32>
      %sub3A_374 = arith.subf %add3A_373, %mul3A_370 : vector<1024x1024xf32>
      %add3A_375 = arith.constant 9.99999996E-13 : f32
      %add3A_376 = vector.broadcast %add3A_375 : f32 to vector<1024x1024xf32>
      %add3A_377 = arith.addf %sub3A_374, %add3A_376 : vector<1024x1024xf32>
      %div3A_378 = arith.divf %mul3A_370, %add3A_377 : vector<1024x1024xf32>
      %gt3A_379 = arith.constant 5.000000e-01 : f32
      %gt3A_380 = vector.broadcast %gt3A_379 : f32 to vector<1024x1024xf32>
      %gt3A_381 = arith.cmpf ogt, %div3A_378, %gt3A_380 : vector<1024x1024xf32>
      %convert_element_type3A_382 = arith.extui %gt3A_381 : vector<1024x1024xi1> to vector<1024x1024xi32>
      %convert_element_type3A_383 = arith.sitofp %convert_element_type3A_382 : vector<1024x1024xi32> to vector<1024x1024xf32>
      %reduce_max3A = arith.constant dense<0xFF800000> : vector<1024xf32>
      %reduce_max3A_384 = vector.multi_reduction <maximumf>, %convert_element_type3A_383, %reduce_max3A [1] : vector<1024x1024xf32> to vector<1024xf32>
      %broadcast_in_dim3A_385 = vector.shape_cast %reduce_max3A_384 : vector<1024xf32> to vector<1024x1xf32>
      %max3A_386 = arith.maximumf %while3A_320, %broadcast_in_dim3A_385 : vector<1024x1xf32>
      scf.yield %max3A_386 : vector<1024x1xf32>
    }
    %iota3A = tpu.iota {dimensions = array<i32: 1>} : vector<1024x1024xi32>
    %iota3A_78 = tpu.iota {dimensions = array<i32: 0>} : vector<1024x1024xi32>
    %lt3A = arith.cmpi slt, %iota3A, %iota3A_78 : vector<1024x1024xi32>
    %sub3A_79 = arith.subf %reshape3A_14, %reshape3A : vector<1x1024xf32>
    %max3A_80 = arith.constant 0.000000e+00 : f32
    %max3A_81 = vector.broadcast %max3A_80 : f32 to vector<1x1024xf32>
    %max3A_82 = arith.maximumf %sub3A_79, %max3A_81 : vector<1x1024xf32>
    %sub3A_83 = arith.subf %reshape3A_19, %reshape3A_9 : vector<1x1024xf32>
    %max3A_84 = arith.constant 0.000000e+00 : f32
    %max3A_85 = vector.broadcast %max3A_84 : f32 to vector<1x1024xf32>
    %max3A_86 = arith.maximumf %sub3A_83, %max3A_85 : vector<1x1024xf32>
    %mul3A_87 = arith.mulf %max3A_82, %max3A_86 : vector<1x1024xf32>
    %min3A = vector.broadcast %reshape3A_14 : vector<1x1024xf32> to vector<1024x1024xf32>
    %min3A_88 = vector.broadcast %dot_general3A_33 : vector<1024x1xf32> to vector<1024x1024xf32>
    %min3A_89 = arith.minimumf %min3A, %min3A_88 : vector<1024x1024xf32>
    %max3A_90 = vector.broadcast %reshape3A : vector<1x1024xf32> to vector<1024x1024xf32>
    %max3A_91 = vector.broadcast %dot_general3A_23 : vector<1024x1xf32> to vector<1024x1024xf32>
    %max3A_92 = arith.maximumf %max3A_90, %max3A_91 : vector<1024x1024xf32>
    %sub3A_93 = arith.subf %min3A_89, %max3A_92 : vector<1024x1024xf32>
    %max3A_94 = arith.constant 0.000000e+00 : f32
    %max3A_95 = vector.broadcast %max3A_94 : f32 to vector<1024x1024xf32>
    %max3A_96 = arith.maximumf %sub3A_93, %max3A_95 : vector<1024x1024xf32>
    %min3A_97 = vector.broadcast %reshape3A_19 : vector<1x1024xf32> to vector<1024x1024xf32>
    %min3A_98 = vector.broadcast %dot_general3A_38 : vector<1024x1xf32> to vector<1024x1024xf32>
    %min3A_99 = arith.minimumf %min3A_97, %min3A_98 : vector<1024x1024xf32>
    %max3A_100 = vector.broadcast %reshape3A_9 : vector<1x1024xf32> to vector<1024x1024xf32>
    %max3A_101 = vector.broadcast %dot_general3A_28 : vector<1024x1xf32> to vector<1024x1024xf32>
    %max3A_102 = arith.maximumf %max3A_100, %max3A_101 : vector<1024x1024xf32>
    %sub3A_103 = arith.subf %min3A_99, %max3A_102 : vector<1024x1024xf32>
    %max3A_104 = arith.constant 0.000000e+00 : f32
    %max3A_105 = vector.broadcast %max3A_104 : f32 to vector<1024x1024xf32>
    %max3A_106 = arith.maximumf %sub3A_103, %max3A_105 : vector<1024x1024xf32>
    %mul3A_107 = arith.mulf %max3A_96, %max3A_106 : vector<1024x1024xf32>
    %add3A_108 = vector.broadcast %mul3A_87 : vector<1x1024xf32> to vector<1024x1024xf32>
    %add3A_109 = vector.broadcast %mul3A : vector<1024x1xf32> to vector<1024x1024xf32>
    %add3A_110 = arith.addf %add3A_108, %add3A_109 : vector<1024x1024xf32>
    %sub3A_111 = arith.subf %add3A_110, %mul3A_107 : vector<1024x1024xf32>
    %add3A_112 = arith.constant 9.99999996E-13 : f32
    %add3A_113 = vector.broadcast %add3A_112 : f32 to vector<1024x1024xf32>
    %add3A_114 = arith.addf %sub3A_111, %add3A_113 : vector<1024x1024xf32>
    %div3A_115 = arith.divf %mul3A_107, %add3A_114 : vector<1024x1024xf32>
    %gt3A = arith.constant 5.000000e-01 : f32
    %gt3A_116 = vector.broadcast %gt3A : f32 to vector<1024x1024xf32>
    %gt3A_117 = arith.cmpf ogt, %div3A_115, %gt3A_116 : vector<1024x1024xf32>
    %and3A_118 = arith.andi %gt3A_117, %lt3A : vector<1024x1024xi1>
    %convert_element_type3A_119 = arith.extui %and3A_118 : vector<1024x1024xi1> to vector<1024x1024xi32>
    %convert_element_type3A_120 = arith.sitofp %convert_element_type3A_119 : vector<1024x1024xi32> to vector<1024x1024xf32>
    %sub3A_121 = arith.constant 1.000000e+00 : f32
    %sub3A_122 = vector.broadcast %sub3A_121 : f32 to vector<1024x1xf32>
    %sub3A_123 = arith.subf %sub3A_122, %while3A_77 : vector<1024x1xf32>
    %while3A_124 = arith.constant 1 : i32
    %while3A_125 = arith.constant 0 : i32
    %while3A_126:3 = scf.while (%while3A_319 = %sub3A_123, %while3A_320 = %while3A_124, %while3A_321 = %while3A_125) : (vector<1024x1xf32>, i32, i32) -> (vector<1024x1xf32>, i32, i32) {
      %gt3A_322 = arith.constant 0 : i32
      %gt3A_323 = arith.cmpi sgt, %while3A_320, %gt3A_322 : i32
      %lt3A_324 = arith.constant 1024 : i32
      %lt3A_325 = arith.cmpi slt, %while3A_321, %lt3A_324 : i32
      %and3A_326 = arith.andi %gt3A_323, %lt3A_325 : i1
      scf.condition(%and3A_326) %while3A_319, %while3A_320, %while3A_321 : vector<1024x1xf32>, i32, i32
    } do {
    ^bb0(%while3A_319: vector<1024x1xf32>, %while3A_320: i32, %while3A_321: i32):
      %dot_general3A_322 = arith.constant dense<0.000000e+00> : vector<1024x1xf32>
      %dot_general3A_323 = tpu.matmul %convert_element_type3A_120, %while3A_319, %dot_general3A_322 {dimension_numbers = #tpu.dot_dimension_numbers<[1], [0], [0], [1], [0, 0, 1, 1], [], []>, precision = #tpu.contract_precision<fp32>, transpose_lhs_hint = false} : vector<1024x1024xf32>, vector<1024x1xf32>, vector<1024x1xf32> -> vector<1024x1xf32>
      %gt3A_324 = arith.constant 0.000000e+00 : f32
      %gt3A_325 = vector.broadcast %gt3A_324 : f32 to vector<1024x1xf32>
      %gt3A_326 = arith.cmpf ogt, %dot_general3A_323, %gt3A_325 : vector<1024x1xf32>
      %jit3A_327 = arith.constant 0.000000e+00 : f32
      %broadcast_in_dim3A_328 = vector.broadcast %jit3A_327 : f32 to vector<1024x1xf32>
      %select_n3A_329 = arith.select %gt3A_326, %broadcast_in_dim3A_328, %sub3A_123 : vector<1024x1xi1>, vector<1024x1xf32>
      %ne3A_330 = arith.cmpf one, %select_n3A_329, %while3A_319 : vector<1024x1xf32>
      %convert_element_type3A_331 = arith.extui %ne3A_330 : vector<1024x1xi1> to vector<1024x1xi32>
      %reduce_sum3A_332 = vector.shape_cast %convert_element_type3A_331 : vector<1024x1xi32> to vector<1x1024x1xi32>
      %reduce_sum3A_333 = arith.constant dense<0> : vector<1xi32>
      %reduce_sum3A_334 = vector.multi_reduction <add>, %reduce_sum3A_332, %reduce_sum3A_333 [1, 2] : vector<1x1024x1xi32> to vector<1xi32>
      %reduce_sum3A_335 = vector.shape_cast %reduce_sum3A_334 : vector<1xi32> to vector<1x1x1xi32>
      %reduce_sum3A_336 = vector.extract %reduce_sum3A_335[0, 0, 0] : i32 from vector<1x1x1xi32>
      %add3A_337 = arith.constant 1 : i32
      %add3A_338 = arith.addi %while3A_321, %add3A_337 : i32
      scf.yield %select_n3A_329, %reduce_sum3A_336, %add3A_338 : vector<1024x1xf32>, i32, i32
    }
    %get3A_127 = arith.constant 0 : index
    %get3A_128 = arith.constant 0 : index
    %get3A_129 = vector.load %arg5[%get3A_127, %get3A_128] : memref<1024x1024xf32, #tpu.memory_space<vmem>>, vector<1024x1024xf32>
    %dot_general3A_130 = arith.constant dense<0.000000e+00> : vector<1x1024xf32>
    %dot_general3A_131 = tpu.matmul %while3A_126#0, %get3A_129, %dot_general3A_130 {dimension_numbers = #tpu.dot_dimension_numbers<[0], [0], [1], [1], [0, 1, 1, 1], [], []>, precision = #tpu.contract_precision<fp32>, transpose_lhs_hint = false} : vector<1024x1xf32>, vector<1024x1024xf32>, vector<1x1024xf32> -> vector<1x1024xf32>
    %reshape3A_132 = vector.shape_cast %dot_general3A_131 : vector<1x1024xf32> to vector<1x1x1024xf32>
    %swap3A = arith.index_cast %arg0 : i32 to index
    %swap3A_133 = arith.constant 0 : index
    %swap3A_134 = arith.constant 0 : index
    %swap3A_135 = vector.load %arg7[%swap3A, %swap3A_133, %swap3A_134] : memref<20x1x1024xf32, #tpu.memory_space<vmem>>, vector<1x1x1024xf32>
    tpu.vector_store %arg7[%swap3A, %swap3A_133, %swap3A_134], %reshape3A_132 {strides = array<i32>} : memref<20x1x1024xf32, #tpu.memory_space<vmem>>, vector<1x1x1024xf32>,
    %get3A_136 = arith.constant 0 : index
    %get3A_137 = arith.constant 0 : index
    %get3A_138 = vector.load %arg6[%get3A_136, %get3A_137] : memref<1024x1024xf32, #tpu.memory_space<vmem>>, vector<1024x1024xf32>
    %dot_general3A_139 = arith.constant dense<0.000000e+00> : vector<1x1024xf32>
    %dot_general3A_140 = tpu.matmul %dot_general3A_131, %get3A_138, %dot_general3A_139 {dimension_numbers = #tpu.dot_dimension_numbers<[1], [0], [0], [1], [0, 0, 1, 1], [], []>, precision = #tpu.contract_precision<fp32>, transpose_lhs_hint = false} : vector<1x1024xf32>, vector<1024x1024xf32>, vector<1x1024xf32> -> vector<1x1024xf32>
    %get3A_141 = arith.constant 0 : index
    %get3A_142 = arith.constant 0 : index
    %get3A_143 = vector.load %arg5[%get3A_141, %get3A_142] : memref<1024x1024xf32, #tpu.memory_space<vmem>>, vector<1024x1024xf32>
    %dot_general3A_144 = arith.constant dense<0.000000e+00> : vector<1024x1xf32>
    %dot_general3A_145 = tpu.matmul %get3A_143, %dot_general3A_140, %dot_general3A_144 {dimension_numbers = #tpu.dot_dimension_numbers<[1], [1], [0], [0], [0, 0, 1, 0], [], []>, precision = #tpu.contract_precision<fp32>, transpose_lhs_hint = false} : vector<1024x1024xf32>, vector<1x1024xf32>, vector<1024x1xf32> -> vector<1024x1xf32>
    %jit3A_146 = arith.constant 1024 : i32
    %div3A_147 = arith.divsi %get3A_46, %jit3A_146 : i32
    %sign3A_148 = arith.constant 0 : i32
    %sign3A_149 = arith.cmpi sgt, %get3A_46, %sign3A_148 : i32
    %sign3A_150 = arith.extui %sign3A_149 : i1 to i32
    %sign3A_151 = arith.constant 0 : i32
    %sign3A_152 = arith.cmpi slt, %get3A_46, %sign3A_151 : i32
    %sign3A_153 = arith.extui %sign3A_152 : i1 to i32
    %sign3A_154 = arith.subi %sign3A_150, %sign3A_153 : i32
    %sign3A_155 = arith.constant 0 : i32
    %sign3A_156 = arith.cmpi sgt, %jit3A_146, %sign3A_155 : i32
    %sign3A_157 = arith.extui %sign3A_156 : i1 to i32
    %sign3A_158 = arith.constant 0 : i32
    %sign3A_159 = arith.cmpi slt, %jit3A_146, %sign3A_158 : i32
    %sign3A_160 = arith.extui %sign3A_159 : i1 to i32
    %sign3A_161 = arith.subi %sign3A_157, %sign3A_160 : i32
    %ne3A_162 = arith.cmpi ne, %sign3A_154, %sign3A_161 : i32
    %rem3A_163 = arith.remsi %get3A_46, %jit3A_146 : i32
    %ne3A_164 = arith.constant 0 : i32
    %ne3A_165 = arith.cmpi ne, %rem3A_163, %ne3A_164 : i32
    %and3A_166 = arith.andi %ne3A_162, %ne3A_165 : i1
    %sub3A_167 = arith.constant 1 : i32
    %sub3A_168 = arith.subi %div3A_147, %sub3A_167 : i32
    %select_n3A_169 = arith.select %and3A_166, %sub3A_168, %div3A_147 : i32
    %mul3A_170 = arith.constant 1024 : i32
    %mul3A_171 = arith.muli %select_n3A_169, %mul3A_170 : i32
    %sub3A_172 = arith.subi %get3A_46, %mul3A_171 : i32
    %sub3A_173 = arith.constant 1.000000e+00 : f32
    %sub3A_174 = vector.broadcast %sub3A_173 : f32 to vector<1024x1xf32>
    %sub3A_175 = arith.subf %dot_general3A_145, %sub3A_174 : vector<1024x1xf32>
    %convert_element_type3A_176 = arith.sitofp %sub3A_172 : i32 to f32
    %add3A_177 = vector.broadcast %convert_element_type3A_176 : f32 to vector<1024x1xf32>
    %add3A_178 = arith.addf %sub3A_175, %add3A_177 : vector<1024x1xf32>
    %ge3A = arith.constant 1.024000e+03 : f32
    %ge3A_179 = vector.broadcast %ge3A : f32 to vector<1024x1xf32>
    %ge3A_180 = arith.cmpf oge, %add3A_178, %ge3A_179 : vector<1024x1xf32>
    %sub3A_181 = arith.constant 1.024000e+03 : f32
    %sub3A_182 = vector.broadcast %sub3A_181 : f32 to vector<1024x1xf32>
    %sub3A_183 = arith.subf %add3A_178, %sub3A_182 : vector<1024x1xf32>
    %select_n3A_184 = arith.select %ge3A_180, %sub3A_183, %add3A_178 : vector<1024x1xi1>, vector<1024x1xf32>
    %iota3A_185 = tpu.iota {dimensions = array<i32: 1>} : vector<1024x1024xi32>
    %convert_element_type3A_186 = arith.sitofp %iota3A_185 : vector<1024x1024xi32> to vector<1024x1024xf32>
    %eq3A_187 = vector.broadcast %select_n3A_184 : vector<1024x1xf32> to vector<1024x1024xf32>
    %eq3A_188 = arith.cmpf oeq, %eq3A_187, %convert_element_type3A_186 : vector<1024x1024xf32>
    %gt3A_189 = arith.constant 0.000000e+00 : f32
    %gt3A_190 = vector.broadcast %gt3A_189 : f32 to vector<1024x1xf32>
    %gt3A_191 = arith.cmpf ogt, %while3A_126#0, %gt3A_190 : vector<1024x1xf32>
    %and3A_192 = vector.broadcast %gt3A_191 : vector<1024x1xi1> to vector<1024x1024xi1>
    %and3A_193 = arith.andi %eq3A_188, %and3A_192 : vector<1024x1024xi1>
    %convert_element_type3A_194 = arith.extui %and3A_193 : vector<1024x1024xi1> to vector<1024x1024xi32>
    %convert_element_type3A_195 = arith.sitofp %convert_element_type3A_194 : vector<1024x1024xi32> to vector<1024x1024xf32>
    %iota3A_196 = tpu.iota {dimensions = array<i32: 1>} : vector<1x1024xi32>
    %ge3A_197 = vector.broadcast %sub3A_172 : i32 to vector<1x1024xi32>
    %ge3A_198 = arith.cmpi sge, %iota3A_196, %ge3A_197 : vector<1x1024xi32>
    %dot_general3A_199 = arith.constant dense<0.000000e+00> : vector<1x1024xf32>
    %dot_general3A_200 = tpu.matmul %reshape3A, %convert_element_type3A_195, %dot_general3A_199 {dimension_numbers = #tpu.dot_dimension_numbers<[1], [0], [0], [1], [0, 0, 1, 1], [], []>, precision = #tpu.contract_precision<fp32>, transpose_lhs_hint = false} : vector<1x1024xf32>, vector<1024x1024xf32>, vector<1x1024xf32> -> vector<1x1024xf32>
    %get3A_201 = arith.index_cast %select_n3A_169 : i32 to index
    %get3A_202 = arith.constant 0 : index
    %get3A_203 = arith.constant 0 : index
    %get3A_204 = vector.load %arg8[%get3A_201, %get3A_202, %get3A_203] : memref<21x1x1024xf32, #tpu.memory_space<vmem>>, vector<1x1x1024xf32>
    %reshape3A_205 = vector.shape_cast %get3A_204 : vector<1x1x1024xf32> to vector<1x1024xf32>
    %select_n3A_206 = arith.select %ge3A_198, %dot_general3A_200, %reshape3A_205 : vector<1x1024xi1>, vector<1x1024xf32>
    %reshape3A_207 = vector.shape_cast %select_n3A_206 : vector<1x1024xf32> to vector<1x1x1024xf32>
    %swap3A_208 = arith.index_cast %select_n3A_169 : i32 to index
    %swap3A_209 = arith.constant 0 : index
    %swap3A_210 = arith.constant 0 : index
    %swap3A_211 = vector.load %arg8[%swap3A_208, %swap3A_209, %swap3A_210] : memref<21x1x1024xf32, #tpu.memory_space<vmem>>, vector<1x1x1024xf32>
    tpu.vector_store %arg8[%swap3A_208, %swap3A_209, %swap3A_210], %reshape3A_207 {strides = array<i32>} : memref<21x1x1024xf32, #tpu.memory_space<vmem>>, vector<1x1x1024xf32>,
    %add3A_212 = arith.constant 1 : i32
    %add3A_213 = arith.addi %select_n3A_169, %add3A_212 : i32
    %get3A_214 = arith.index_cast %add3A_213 : i32 to index
    %get3A_215 = arith.constant 0 : index
    %get3A_216 = arith.constant 0 : index
    %get3A_217 = vector.load %arg8[%get3A_214, %get3A_215, %get3A_216] : memref<21x1x1024xf32, #tpu.memory_space<vmem>>, vector<1x1x1024xf32>
    %reshape3A_218 = vector.shape_cast %get3A_217 : vector<1x1x1024xf32> to vector<1x1024xf32>
    %select_n3A_219 = arith.select %ge3A_198, %reshape3A_218, %dot_general3A_200 : vector<1x1024xi1>, vector<1x1024xf32>
    %reshape3A_220 = vector.shape_cast %select_n3A_219 : vector<1x1024xf32> to vector<1x1x1024xf32>
    %add3A_221 = arith.constant 1 : i32
    %add3A_222 = arith.addi %select_n3A_169, %add3A_221 : i32
    %swap3A_223 = arith.index_cast %add3A_222 : i32 to index
    %swap3A_224 = arith.constant 0 : index
    %swap3A_225 = arith.constant 0 : index
    %swap3A_226 = vector.load %arg8[%swap3A_223, %swap3A_224, %swap3A_225] : memref<21x1x1024xf32, #tpu.memory_space<vmem>>, vector<1x1x1024xf32>
    tpu.vector_store %arg8[%swap3A_223, %swap3A_224, %swap3A_225], %reshape3A_220 {strides = array<i32>} : memref<21x1x1024xf32, #tpu.memory_space<vmem>>, vector<1x1x1024xf32>,
    %dot_general3A_227 = arith.constant dense<0.000000e+00> : vector<1x1024xf32>
    %dot_general3A_228 = tpu.matmul %reshape3A_9, %convert_element_type3A_195, %dot_general3A_227 {dimension_numbers = #tpu.dot_dimension_numbers<[1], [0], [0], [1], [0, 0, 1, 1], [], []>, precision = #tpu.contract_precision<fp32>, transpose_lhs_hint = false} : vector<1x1024xf32>, vector<1024x1024xf32>, vector<1x1024xf32> -> vector<1x1024xf32>
    %get3A_229 = arith.index_cast %select_n3A_169 : i32 to index
    %get3A_230 = arith.constant 0 : index
    %get3A_231 = arith.constant 0 : index
    %get3A_232 = vector.load %arg9[%get3A_229, %get3A_230, %get3A_231] : memref<21x1x1024xf32, #tpu.memory_space<vmem>>, vector<1x1x1024xf32>
    %reshape3A_233 = vector.shape_cast %get3A_232 : vector<1x1x1024xf32> to vector<1x1024xf32>
    %select_n3A_234 = arith.select %ge3A_198, %dot_general3A_228, %reshape3A_233 : vector<1x1024xi1>, vector<1x1024xf32>
    %reshape3A_235 = vector.shape_cast %select_n3A_234 : vector<1x1024xf32> to vector<1x1x1024xf32>
    %swap3A_236 = arith.index_cast %select_n3A_169 : i32 to index
    %swap3A_237 = arith.constant 0 : index
    %swap3A_238 = arith.constant 0 : index
    %swap3A_239 = vector.load %arg9[%swap3A_236, %swap3A_237, %swap3A_238] : memref<21x1x1024xf32, #tpu.memory_space<vmem>>, vector<1x1x1024xf32>
    tpu.vector_store %arg9[%swap3A_236, %swap3A_237, %swap3A_238], %reshape3A_235 {strides = array<i32>} : memref<21x1x1024xf32, #tpu.memory_space<vmem>>, vector<1x1x1024xf32>,
    %add3A_240 = arith.constant 1 : i32
    %add3A_241 = arith.addi %select_n3A_169, %add3A_240 : i32
    %get3A_242 = arith.index_cast %add3A_241 : i32 to index
    %get3A_243 = arith.constant 0 : index
    %get3A_244 = arith.constant 0 : index
    %get3A_245 = vector.load %arg9[%get3A_242, %get3A_243, %get3A_244] : memref<21x1x1024xf32, #tpu.memory_space<vmem>>, vector<1x1x1024xf32>
    %reshape3A_246 = vector.shape_cast %get3A_245 : vector<1x1x1024xf32> to vector<1x1024xf32>
    %select_n3A_247 = arith.select %ge3A_198, %reshape3A_246, %dot_general3A_228 : vector<1x1024xi1>, vector<1x1024xf32>
    %reshape3A_248 = vector.shape_cast %select_n3A_247 : vector<1x1024xf32> to vector<1x1x1024xf32>
    %add3A_249 = arith.constant 1 : i32
    %add3A_250 = arith.addi %select_n3A_169, %add3A_249 : i32
    %swap3A_251 = arith.index_cast %add3A_250 : i32 to index
    %swap3A_252 = arith.constant 0 : index
    %swap3A_253 = arith.constant 0 : index
    %swap3A_254 = vector.load %arg9[%swap3A_251, %swap3A_252, %swap3A_253] : memref<21x1x1024xf32, #tpu.memory_space<vmem>>, vector<1x1x1024xf32>
    tpu.vector_store %arg9[%swap3A_251, %swap3A_252, %swap3A_253], %reshape3A_248 {strides = array<i32>} : memref<21x1x1024xf32, #tpu.memory_space<vmem>>, vector<1x1x1024xf32>,
    %dot_general3A_255 = arith.constant dense<0.000000e+00> : vector<1x1024xf32>
    %dot_general3A_256 = tpu.matmul %reshape3A_14, %convert_element_type3A_195, %dot_general3A_255 {dimension_numbers = #tpu.dot_dimension_numbers<[1], [0], [0], [1], [0, 0, 1, 1], [], []>, precision = #tpu.contract_precision<fp32>, transpose_lhs_hint = false} : vector<1x1024xf32>, vector<1024x1024xf32>, vector<1x1024xf32> -> vector<1x1024xf32>
    %get3A_257 = arith.index_cast %select_n3A_169 : i32 to index
    %get3A_258 = arith.constant 0 : index
    %get3A_259 = arith.constant 0 : index
    %get3A_260 = vector.load %arg10[%get3A_257, %get3A_258, %get3A_259] : memref<21x1x1024xf32, #tpu.memory_space<vmem>>, vector<1x1x1024xf32>
    %reshape3A_261 = vector.shape_cast %get3A_260 : vector<1x1x1024xf32> to vector<1x1024xf32>
    %select_n3A_262 = arith.select %ge3A_198, %dot_general3A_256, %reshape3A_261 : vector<1x1024xi1>, vector<1x1024xf32>
    %reshape3A_263 = vector.shape_cast %select_n3A_262 : vector<1x1024xf32> to vector<1x1x1024xf32>
    %swap3A_264 = arith.index_cast %select_n3A_169 : i32 to index
    %swap3A_265 = arith.constant 0 : index
    %swap3A_266 = arith.constant 0 : index
    %swap3A_267 = vector.load %arg10[%swap3A_264, %swap3A_265, %swap3A_266] : memref<21x1x1024xf32, #tpu.memory_space<vmem>>, vector<1x1x1024xf32>
    tpu.vector_store %arg10[%swap3A_264, %swap3A_265, %swap3A_266], %reshape3A_263 {strides = array<i32>} : memref<21x1x1024xf32, #tpu.memory_space<vmem>>, vector<1x1x1024xf32>,
    %add3A_268 = arith.constant 1 : i32
    %add3A_269 = arith.addi %select_n3A_169, %add3A_268 : i32
    %get3A_270 = arith.index_cast %add3A_269 : i32 to index
    %get3A_271 = arith.constant 0 : index
    %get3A_272 = arith.constant 0 : index
    %get3A_273 = vector.load %arg10[%get3A_270, %get3A_271, %get3A_272] : memref<21x1x1024xf32, #tpu.memory_space<vmem>>, vector<1x1x1024xf32>
    %reshape3A_274 = vector.shape_cast %get3A_273 : vector<1x1x1024xf32> to vector<1x1024xf32>
    %select_n3A_275 = arith.select %ge3A_198, %reshape3A_274, %dot_general3A_256 : vector<1x1024xi1>, vector<1x1024xf32>
    %reshape3A_276 = vector.shape_cast %select_n3A_275 : vector<1x1024xf32> to vector<1x1x1024xf32>
    %add3A_277 = arith.constant 1 : i32
    %add3A_278 = arith.addi %select_n3A_169, %add3A_277 : i32
    %swap3A_279 = arith.index_cast %add3A_278 : i32 to index
    %swap3A_280 = arith.constant 0 : index
    %swap3A_281 = arith.constant 0 : index
    %swap3A_282 = vector.load %arg10[%swap3A_279, %swap3A_280, %swap3A_281] : memref<21x1x1024xf32, #tpu.memory_space<vmem>>, vector<1x1x1024xf32>
    tpu.vector_store %arg10[%swap3A_279, %swap3A_280, %swap3A_281], %reshape3A_276 {strides = array<i32>} : memref<21x1x1024xf32, #tpu.memory_space<vmem>>, vector<1x1x1024xf32>,
    %dot_general3A_283 = arith.constant dense<0.000000e+00> : vector<1x1024xf32>
    %dot_general3A_284 = tpu.matmul %reshape3A_19, %convert_element_type3A_195, %dot_general3A_283 {dimension_numbers = #tpu.dot_dimension_numbers<[1], [0], [0], [1], [0, 0, 1, 1], [], []>, precision = #tpu.contract_precision<fp32>, transpose_lhs_hint = false} : vector<1x1024xf32>, vector<1024x1024xf32>, vector<1x1024xf32> -> vector<1x1024xf32>
    %get3A_285 = arith.index_cast %select_n3A_169 : i32 to index
    %get3A_286 = arith.constant 0 : index
    %get3A_287 = arith.constant 0 : index
    %get3A_288 = vector.load %arg11[%get3A_285, %get3A_286, %get3A_287] : memref<21x1x1024xf32, #tpu.memory_space<vmem>>, vector<1x1x1024xf32>
    %reshape3A_289 = vector.shape_cast %get3A_288 : vector<1x1x1024xf32> to vector<1x1024xf32>
    %select_n3A_290 = arith.select %ge3A_198, %dot_general3A_284, %reshape3A_289 : vector<1x1024xi1>, vector<1x1024xf32>
    %reshape3A_291 = vector.shape_cast %select_n3A_290 : vector<1x1024xf32> to vector<1x1x1024xf32>
    %swap3A_292 = arith.index_cast %select_n3A_169 : i32 to index
    %swap3A_293 = arith.constant 0 : index
    %swap3A_294 = arith.constant 0 : index
    %swap3A_295 = vector.load %arg11[%swap3A_292, %swap3A_293, %swap3A_294] : memref<21x1x1024xf32, #tpu.memory_space<vmem>>, vector<1x1x1024xf32>
    tpu.vector_store %arg11[%swap3A_292, %swap3A_293, %swap3A_294], %reshape3A_291 {strides = array<i32>} : memref<21x1x1024xf32, #tpu.memory_space<vmem>>, vector<1x1x1024xf32>,
    %add3A_296 = arith.constant 1 : i32
    %add3A_297 = arith.addi %select_n3A_169, %add3A_296 : i32
    %get3A_298 = arith.index_cast %add3A_297 : i32 to index
    %get3A_299 = arith.constant 0 : index
    %get3A_300 = arith.constant 0 : index
    %get3A_301 = vector.load %arg11[%get3A_298, %get3A_299, %get3A_300] : memref<21x1x1024xf32, #tpu.memory_space<vmem>>, vector<1x1x1024xf32>
    %reshape3A_302 = vector.shape_cast %get3A_301 : vector<1x1x1024xf32> to vector<1x1024xf32>
    %select_n3A_303 = arith.select %ge3A_198, %reshape3A_302, %dot_general3A_284 : vector<1x1024xi1>, vector<1x1024xf32>
    %reshape3A_304 = vector.shape_cast %select_n3A_303 : vector<1x1024xf32> to vector<1x1x1024xf32>
    %add3A_305 = arith.constant 1 : i32
    %add3A_306 = arith.addi %select_n3A_169, %add3A_305 : i32
    %swap3A_307 = arith.index_cast %add3A_306 : i32 to index
    %swap3A_308 = arith.constant 0 : index
    %swap3A_309 = arith.constant 0 : index
    %swap3A_310 = vector.load %arg11[%swap3A_307, %swap3A_308, %swap3A_309] : memref<21x1x1024xf32, #tpu.memory_space<vmem>>, vector<1x1x1024xf32>
    tpu.vector_store %arg11[%swap3A_307, %swap3A_308, %swap3A_309], %reshape3A_304 {strides = array<i32>} : memref<21x1x1024xf32, #tpu.memory_space<vmem>>, vector<1x1x1024xf32>,
    %reduce_sum3A = vector.shape_cast %while3A_126#0 : vector<1024x1xf32> to vector<1x1024x1xf32>
    %reduce_sum3A_311 = arith.constant dense<0.000000e+00> : vector<1xf32>
    %reduce_sum3A_312 = vector.multi_reduction <add>, %reduce_sum3A, %reduce_sum3A_311 [1, 2] : vector<1x1024x1xf32> to vector<1xf32>
    %reduce_sum3A_313 = vector.shape_cast %reduce_sum3A_312 : vector<1xf32> to vector<1x1x1xf32>
    %reduce_sum3A_314 = vector.extract %reduce_sum3A_313[0, 0, 0] : f32 from vector<1x1x1xf32>
    %convert_element_type3A_315 = arith.fptosi %reduce_sum3A_314 : f32 to i32
    %add3A_316 = arith.addi %get3A_46, %convert_element_type3A_315 : i32
    %swap3A_317 = arith.constant 0 : index
    %swap3A_318 = memref.load %arg12[%swap3A_317] : memref<1xi32, #tpu.memory_space<smem>>
    memref.store %add3A_316, %arg12[%swap3A_317] : memref<1xi32, #tpu.memory_space<smem>>
    return
  }
  func.func @transform_0(%arg0: i32) -> (i32, i32, i32) {
    %c0_i32 = arith.constant 0 : i32
    %c0_i32_0 = arith.constant 0 : i32
    %c0_i32_1 = arith.constant 0 : i32
    %c0_i32_2 = arith.constant 0 : i32
    return %c0_i32, %c0_i32_0, %c0_i32_1 : i32, i32, i32
  }
  func.func @transform_1(%arg0: i32) -> (i32, i32, i32) {
    %c0_i32 = arith.constant 0 : i32
    %c0_i32_0 = arith.constant 0 : i32
    %c0_i32_1 = arith.constant 0 : i32
    %c0_i32_2 = arith.constant 0 : i32
    return %c0_i32, %c0_i32_0, %c0_i32_1 : i32, i32, i32
  }
  func.func @transform_2(%arg0: i32) -> (i32, i32, i32) {
    %c0_i32 = arith.constant 0 : i32
    %c0_i32_0 = arith.constant 0 : i32
    %c0_i32_1 = arith.constant 0 : i32
    %c0_i32_2 = arith.constant 0 : i32
    return %c0_i32, %c0_i32_0, %c0_i32_1 : i32, i32, i32
  }
  func.func @transform_3(%arg0: i32) -> (i32, i32, i32) {
    %c0_i32 = arith.constant 0 : i32
    %c0_i32_0 = arith.constant 0 : i32
    %c0_i32_1 = arith.constant 0 : i32
    %c0_i32_2 = arith.constant 0 : i32
    return %c0_i32, %c0_i32_0, %c0_i32_1 : i32, i32, i32
  }
  func.func @transform_4(%arg0: i32) -> (i32, i32) {
    %c0_i32 = arith.constant 0 : i32
    %c0_i32_0 = arith.constant 0 : i32
    %c0_i32_1 = arith.constant 0 : i32
    return %c0_i32, %c0_i32_0 : i32, i32
  }
  func.func @transform_5(%arg0: i32) -> (i32, i32) {
    %c0_i32 = arith.constant 0 : i32
    %c0_i32_0 = arith.constant 0 : i32
    %c0_i32_1 = arith.constant 0 : i32
    return %c0_i32, %c0_i32_0 : i32, i32
  }
  func.func @transform_6(%arg0: i32) -> (i32, i32, i32) {
    %c0_i32 = arith.constant 0 : i32
    %c0_i32_0 = arith.constant 0 : i32
    %c0_i32_1 = arith.constant 0 : i32
    %c0_i32_2 = arith.constant 0 : i32
    return %c0_i32, %c0_i32_0, %c0_i32_1 : i32, i32, i32
  }
}

</mosaic_0001>

<sc_bundles>
// kernel: kernel.4.cloned.1.call-start
scs
__scs_entry_jumppad:
0x0: {  	(pc) =	sbr.rel $0x88, $3  }
0x1: {  	(tag) =	ssettag $0x0;
	lr =	simm.s32 $0x1  }
0x2: {  	[smem:$0x3F9F] =	sst lr;
	_ =	strace $0xD0000000  }
0x3: {  	_ = 	snop  }
0x4: {  	_ = 	snop  }
0x5: {  	_ = 	snop  }
0x6: {  	_ = 	snop  }
0x7: {  	_ = 	snop  }
__scs_overlays_trampoline_lowered:
0x8: {  	[smem:$0x3FAE] =	sst s0  }
0x9: {  	[smem:$0x3FAF] =	sst s1  }
0xa: {  	[smem:$0x3FB0] =	sst s2  }
0xb: {  	[smem:$0x3FB1] =	sst s3  }
0xc: {  	[smem:$0x3FB2] =	sst s4  }
0xd: {  	[smem:$0x3FB3] =	sst s5  }
0xe: {  	[smem:$0x3FB4] =	sst s6  }
0xf: {  	[smem:$0x3FB5] =	sst s7  }
0x10: {  	[smem:$0x3FB6] =	sst s8  }
0x11: {  	[smem:$0x3FB7] =	sst s9;
	s0 =	simm.s32 @!p0 $0x0  }
0x12: {  	s1 =	sld [smem:$0x3F9D];
	s0 =	simm.s32 @p0 $0x1  }
0x13: {  	[smem:$0x3FB8] =	sst s0;
	s0 =	simm.s32 @!p1 $0x0  }
0x14: {  	s2 =	sld [smem:$0x3F9C];
	s0 =	simm.s32 @p1 $0x1  }
0x15: {  	[smem:$0x3FB9] =	sst s0;
	s0 =	simm.s32 @!p2 $0x0  }
0x16: {  	s3 =	sld [smem:$0x3FDB];
	s0 =	simm.s32 @p2 $0x1  }
0x17: {  	s4 =	simm.s32 $0x1BF5;
	[smem:$0x3FBB] =	sst s0  }
0x18: {  	s0 =	sld [smem:$0x3F9E];
	_ =	swait.ge [sflag:s4], $0x0  }
0x19: {  	s7 =	sld [smem:$0x3F9F]  }
0x1a: {  	s8 =	sadd.s32 $0xFFFFE003, lr  }
0x1b: {  	s9 =	sadd.s32 $0xFFFFFEF7, lr;
	s5 =	simm.s32 $0xFFFFFFFF;
	p2 =	slt.u32 s8, $0xFFFFF086  }
0x1c: {  	p1 =	slt.u32 s9, $0xF7A;
	s5 =	simm.s32 @!p2 $0x0  }
0x1d: {  	s5 =	simm.s32 @p1 $0x1;
	p0 =	seq.s32 s7, s2  }
0x1e: {  	s7 =	smul.u32 @!p0 $0xF7A, s2;
	p2 =	seq.s32 @!p0 s5, $0x0  }
0x1f: {  	s9 =	smul.u32 $0xF7A, s1;
	s8 =	simm.s32 @!p0 $0x1BF5;
	p2 =	por !p2, p0  }
0x20: {  	[sflag:s8] =	ssyncset.s32 @!p0 $0xFFFFF086;
	s6 =	sadd.s32 @!p0 s3, s7;
	s7 =	simm.s32 @!p0 $0x108  }
0x21: {  	s3 =	sadd.s32 s3, s9;
	s6 =	sadd.s32 @!p0 $0x88, s6;
	s7 =	simm.s32 @p2 $0x1082  }
0x22: {  	[simem:s7], [sflag:s8] =	dma.local @!p0 [hbm:s6], $0xF7A  }
0x23: {  	s9 =	sor.u32 $0xD0000000, s2;
	s6 =	simm.s32 $0x108;
	_ =	swait.ge @!p0 [sflag:s8], $0x0  }
0x24: {  	s3 =	sadd.s32 $0x88, s3;
	s6 =	simm.s32 @!p1 $0x1082;
	[sflag:s4] =	ssyncset.s32 $0xFFFFF086  }
0x25: {  	[simem:s6], [sflag:s4] =	dma.local [hbm:s3], $0xF7A  }
0x26: {  	[smem:$0x3F9F] =	sst s1;
	(tag) =	ssettag s2;
	_ =	strace s9  }
0x27: {  	s1 =	sld [smem:$0x3FAF]  }
0x28: {  	s2 =	sld [smem:$0x3FB0]  }
0x29: {  	s4 =	sld [smem:$0x3FB2]  }
0x2a: {  	p0 =	seq.s32 s5, $0x0;
	s5 =	sld [smem:$0x3FB3]  }
0x2b: {  	s6 =	sld [smem:$0x3FB4]  }
0x2c: {  	s7 =	sld [smem:$0x3FB5]  }
0x2d: {  	s3 =	simm.s32 $0x108;
	s8 =	sld [smem:$0x3FB6]  }
0x2e: {  	s3 =	simm.s32 @!p0 $0x1082;
	s9 =	sld [smem:$0x3FB7]  }
0x2f: {  	lr =	sadd.s32 s0, s3;
	s0 =	sld [smem:$0x3FAE]  }
0x30: {  	s3 =	sld [smem:$0x3FB1]  }
0x31: {  	[smem:$0x3FBA] =	sst s10  }
0x32: {  	s10 =	sld [smem:$0x3FB8];
	_ =	sdelay $0x3  }
0x33: {  	p0 =	seq.s32 s10, $0x1;
	s10 =	sld [smem:$0x3FBA];
	_ =	sdelay $0x3  }
0x34: {  	[smem:$0x3FBA] =	sst s10  }
0x35: {  	s10 =	sld [smem:$0x3FB9];
	_ =	sdelay $0x3  }
0x36: {  	p1 =	seq.s32 s10, $0x1;
	s10 =	sld [smem:$0x3FBA];
	_ =	sdelay $0x3  }
0x37: {  	[smem:$0x3FBA] =	sst s10  }
0x38: {  	s10 =	sld [smem:$0x3FBB]  }
0x39: {  	_ = 	snop;
	(pc) =	sbr.ind lr, $3  }
0x3a: {  	_ = 	snop  }
0x3b: {  	_ = 	snop  }
0x3c: {  	p2 =	seq.s32 s10, $0x1;
	s10 =	sld [smem:$0x3FBA]  }
0x3d: {  	_ =	shalt  }
0x3e: {  	_ =	shalt  }
0x3f: {  	_ =	shalt  }
0x40: {  	_ =	shalt  }
0x41: {  	_ =	shalt  }
0x42: {  	_ =	shalt  }
0x43: {  	_ =	shalt  }
0x44: {  	_ =	shalt  }
0x45: {  	_ =	shalt  }
0x46: {  	_ =	shalt  }
0x47: {  	_ =	shalt  }
0x48: {  	_ =	shalt  }
0x49: {  	_ =	shalt  }
0x4a: {  	_ =	shalt  }
0x4b: {  	_ =	shalt  }
0x4c: {  	_ =	shalt  }
0x4d: {  	_ =	shalt  }
0x4e: {  	_ =	shalt  }
0x4f: {  	_ =	shalt  }
0x50: {  	_ =	shalt  }
0x51: {  	_ =	shalt  }
0x52: {  	_ =	shalt  }
0x53: {  	_ =	shalt  }
0x54: {  	_ =	shalt  }
0x55: {  	_ =	shalt  }
0x56: {  	_ =	shalt  }
0x57: {  	_ =	shalt  }
0x58: {  	_ =	shalt  }
0x59: {  	_ =	shalt  }
0x5a: {  	_ =	shalt  }
0x5b: {  	_ =	shalt  }
0x5c: {  	_ =	shalt  }
0x5d: {  	_ =	shalt  }
0x5e: {  	_ =	shalt  }
0x5f: {  	_ =	shalt  }
0x60: {  	_ =	shalt  }
0x61: {  	_ =	shalt  }
0x62: {  	_ =	shalt  }
0x63: {  	_ =	shalt  }
0x64: {  	_ =	shalt  }
0x65: {  	_ =	shalt  }
0x66: {  	_ =	shalt  }
0x67: {  	_ =	shalt  }
0x68: {  	_ =	shalt  }
0x69: {  	_ =	shalt  }
0x6a: {  	_ =	shalt  }
0x6b: {  	_ =	shalt  }
0x6c: {  	_ =	shalt  }
0x6d: {  	_ =	shalt  }
0x6e: {  	_ =	shalt  }
0x6f: {  	_ =	shalt  }
0x70: {  	_ =	shalt  }
0x71: {  	_ =	shalt  }
0x72: {  	_ =	shalt  }
0x73: {  	_ =	shalt  }
0x74: {  	_ =	shalt  }
0x75: {  	_ =	shalt  }
0x76: {  	_ =	shalt  }
0x77: {  	_ =	shalt  }
0x78: {  	_ =	shalt  }
0x79: {  	_ =	shalt  }
0x7a: {  	_ =	shalt  }
0x7b: {  	_ =	shalt  }
0x7c: {  	_ =	shalt  }
0x7d: {  	_ =	shalt  }
0x7e: {  	_ =	shalt  }
0x7f: {  	_ =	shalt  }
0x80: {  	_ =	shalt  }
0x81: {  	_ =	shalt  }
0x82: {  	_ =	shalt  }
0x83: {  	_ =	shalt  }
0x84: {  	_ =	shalt  }
0x85: {  	_ =	shalt  }
0x86: {  	_ =	shalt  }
0x87: {  	_ =	shalt  }
.Lfunc_end0:
.L_simem_size_0:
called_computation_lowered:
.L_overlay_start_0:
0x88: {  	s2 =	sld [smem:$0x3FD9]  }
0x89: {  	s3 =	sld [smem:$0x3FFE];
	_ =	sdelay $0x1  }
0x8a: {  	s1 =	srdreg.scid  }
0x8b: {  	s0 =	sand.u32 $0x1, s1  }
0x8c: {  	s17 =	sshll.u32 s0, $0xA;
	s2 =	sadd.s32 s3, s2  }
0x8d: {  	s2 =	sadd.s32 s2, s17  }
0x8e: {  	[smem:$0x3FC6] =	sst s2  }
0x8f: {  	_ = 	snop  }
0x90: {  	s2 =	sld [smem:$0x3FD0];
	(tm) =	ssettm $0x1  }
0x91: {  	s18 =	sld [smem:$0x3FFB];
	_ =	sdelay $0x3  }
0x92: {  	_ =	strace s18  }
0x93: {  	s3 =	sld [smem:$0x3FFC];
	_ =	sdelay $0x3  }
0x94: {  	_ =	strace s3  }
0x95: {  	s3 =	sld [smem:$0x3FFD];
	_ =	sdelay $0x3  }
0x96: {  	_ =	strace s3  }
0x97: {  	_ =	strace $0x8FFFFFFF  }
0x98: {  	s19 =	sld [smem:$0x3FDB];
	_ =	sdelay $0x1  }
0x99: {  	s4 =	simm.s32 $_scs_section_size  }
0x9a: {  	s5 =	simm.s32 $_size__tile_overlayer_lowered;
	s6 =	simm.s32 $_tile_overlayer_lowered  }
0x9b: {  	s22 =	simm.s32 $0x1BFF;
	s21 =	sshll.u32 s6, $0x1;
	s3 =	sadd.s32 s4, s19  }
0x9c: {  	s7 =	simm.s32 $0x0;
	s20 =	sshll.u32 s5, $0x1;
	s5 =	sadd.s32 s21, s3  }
0x9d: {  	[timem:s7], [sflag:s22] =	dma.local [hbm:s5], s20  }
0x9e: {  	_ =	swait.ge [sflag:s22], s20  }
0x9f: {  	s4 =	ssub.s32 $0x0, s20;
	[sflag:s22] =	ssyncset.done $0x0  }
0xa0: {  	[sflag:s22] =	ssyncadd.s32 s4;
	_ =	sdelay $0x1  }
0xa1: {  	s23 =	simm.s32 $0x1B8B  }
0xa2: {  	_ =	swait.ge [sflag:s23], $0x1  }
0xa3: {  	[sflag:s23] =	ssyncset.done $0x0  }
0xa4: {  	s25 =	simm.s32 $0x1B8E;
	s24 =	sld [smem:$0x3FFE];
	[sflag:s23] =	ssyncadd.s32 $0xFFFFFFFF  }
0xa5: {  	s26 =	simm.s32 $execute0_lowered;
	[smem:$0x3FD2] =	sst s25  }
0xa6: {  	s5 =	sshll.u32 s26, $0x1;
	_ =	strace $0x80000046;
	[dreg:$0x1] =	wrdreg $0xFFFFFFFF  }
0xa7: {  	s28 =	simm.s32 $_size_execute0_lowered;
	s3 =	sadd.s32 s3, s5;
	[dreg:$0x0] =	wrdreg $0x0  }
0xa8: {  	s5 =	sshll.u32 s28, $0x1;
	[dreg:$0x2] =	wrdreg s3  }
0xa9: {  	[dreg:$0x3] =	wrdreg s5  }
0xaa: {  	[dreg:$0x4] =	wrdreg $0xC0  }
0xab: {  	_ =	task [dreg:s7], $0x5FFFF  }
0xac: {  	[dreg:$0x1] =	wrdreg $0xFFFFFFFF  }
0xad: {  	[dreg:$0x0] =	wrdreg $0x60  }
0xae: {  	[dreg:$0x2] =	wrdreg s24  }
0xaf: {  	[dreg:$0x3] =	wrdreg s2  }
0xb0: {  	[dreg:$0x4] =	wrdreg $0x9  }
0xb1: {  	_ =	task.clear_ibuf [dreg:s7], $0x5FFFF;
	_ =	strace $0x90000046  }
0xb2: {  	s29 =	simm.s32 $0x9;
	_ =	strace $0x80000048  }
0xb3: {  	_ =	swait.ge [sflag:s29], $0x1  }
0xb4: {  	[sflag:s29] =	ssyncadd.s32 $0xFFFFFFFF  }
0xb5: {  	_ =	strace $0x90000048  }
0xb6: {  	_ =	sfence  }
0xb7: {  	s30 =	sld [smem:$0x0];
	_ =	sdelay $0x2  }
0xb8: {  	s31 =	sshll.u32 s1, $0xD;
	s1 =	sshrl.u32 s1, $0x2  }
0xb9: {  	s3 =	sand.u32 $0x4000, s31;
	s1 =	sadd.s32 s1, s30  }
0xba: {  	s0 =	sor.u32 s3, s0;
	s1 =	sshll.u32 s1, $0x11  }
0xbb: {  	s0 =	sor.u32 s1, s0  }
0xbc: {  	s0 =	sadd.s32 $0x8F2B, s0  }
0xbd: {  	[sflag:s0] =	ssyncadd.remote.s32 $0x1  }
0xbe: {  	_ =	sfence.sel $0xFFFF  }
0xbf: {  	[dreg:$0x0] =	wrdreg $0xFFFFFFFF;
	(pc) =	sbr.abs _section_cstart, $3  }
0xc0: {  	[dreg:$0x1] =	wrdreg $0xFFFFFFFF  }
0xc1: {  	_ =	task.clear_ibuf [dreg:s7], $0x2FFFF;
	_ =	strace $0x9FFFFFFF  }
0xc2: {  	(tm) =	ssettm $0x7FFFFFFF  }
0xc3: {  	_ =	shalt  }
tec
execute0_lowered:
.L_overlay_start_1:
0x0: {  	(tag) =	ssettag $0x1  }
0x1: {  	s1 =	srdreg.scid;
	s0 =	stileid.u32  }
0x2: {  	s2 =	rddreg [dreg:$0x0];
	s16 =	sand.u32 $0x1, s1;
	s29 =	sshll.u32 s0, $0x1  }
0x3: {  	s4 =	rddreg [dreg:$0x1];
	s17 =	sor.u32 s16, s29  }
0x4: {  	s3 =	simm.s32 $0x0;
	s1 =	rddreg [dreg:$0x2];
	s5 =	smul.u32 $0x50, s17  }
0x5: {  	[smem:$0x7FF] =	sst s3  }
0x6: {  	_ =	strace $0x80000047;
	s5 =	sadd.s32 s4, s5;
	s4 =	simm.s32 $0x2  }
0x7: {  	[tilespmem:s3], [sflag:$0x2] =	stream.linear.gather [hbm4b:s5+s3], $0x280, $0x38;
	[tilespmem:$0x14280] =	vst v63  }
0x8: {  	_ =	swait.ge [sflag:s4], $0x280  }
0x9: {  	[sflag:s4] =	ssyncset.done $0x0  }
0xa: {  	s6 =	simm.s32 $0x80;
	s7 =	simm.s32 $0x280;
	[sflag:s4] =	ssyncadd.s32 $0xFFFFFD80  }
0xb: {  	[tilespmem:s7], [sflag:$0x1] =	stream.indirect.gather [hbm4b:s2+s6], $0x80, s3, s6, $0xb8;
	[tilespmem:$0x14280] =	vst v63  }
0xc: {  	s8 =	simm.s32 $0x4280  }
0xd: {  	[tilespmem:s8], [sflag:$0x1] =	stream.indirect.gather [hbm4b:s2+s6], $0x80, s6, s6, $0xb8;
	[tilespmem:$0x14280] =	vst v63  }
0xe: {  	s9 =	simm.s32 $0x100;
	s10 =	simm.s32 $0x8280  }
0xf: {  	[tilespmem:s10], [sflag:$0x1] =	stream.indirect.gather [hbm4b:s2+s6], $0x80, s9, s6, $0xb8;
	[tilespmem:$0x14280] =	vst v63  }
0x10: {  	s11 =	simm.s32 $0x180;
	s12 =	simm.s32 $0xC280  }
0x11: {  	[tilespmem:s12], [sflag:$0x1] =	stream.indirect.gather [hbm4b:s2+s6], $0x80, s11, s6, $0xb8;
	[tilespmem:$0x14280] =	vst v63  }
0x12: {  	s13 =	simm.s32 $0x200;
	s14 =	simm.s32 $0x10280;
	s15 =	simm.s32 $0x1  }
0x13: {  	[tilespmem:s14], [sflag:$0x1] =	stream.indirect.gather [hbm4b:s2+s6], $0x80, s13, s6, $0xb8;
	[tilespmem:$0x14280] =	vst v63  }
0x14: {  	_ =	swait.ge [sflag:s15], $0x4000  }
0x15: {  	[sflag:s15] =	ssyncset.done $0x0  }
0x16: {  	[sflag:s15] =	ssyncadd.s32 $0xFFFFC000  }
0x17: {  	_ =	swait.ge [sflag:s15], $0x4000  }
0x18: {  	[sflag:s15] =	ssyncset.done $0x0  }
0x19: {  	[sflag:s15] =	ssyncadd.s32 $0xFFFFC000  }
0x1a: {  	_ =	swait.ge [sflag:s15], $0x4000  }
0x1b: {  	[sflag:s15] =	ssyncset.done $0x0  }
0x1c: {  	s16 =	ssub.s32 $0x2, s16;
	[sflag:s15] =	ssyncadd.s32 $0xFFFFC000  }
0x1d: {  	s18 =	sshrl.u32 s16, $0x1;
	_ =	swait.ge [sflag:s15], $0x4000  }
0x1e: {  	s18 =	ssub.s32 s16, s18;
	[sflag:s15] =	ssyncset.done $0x0  }
0x1f: {  	s17 =	smul.u32 $0x2800, s17;
	s31 =	smax.u32 s18, $0x1;
	[sflag:s15] =	ssyncadd.s32 $0xFFFFC000  }
0x20: {  	p0 =	sne.s32 s31, $0x1;
	_ =	swait.ge [sflag:s15], $0x4000  }
.Ltmp0:
0x21: {  	s30 =	sadd.s32 s17, s2;
	[sflag:s15] =	ssyncset.done $0x0;
	(pc) =	sbr.rel @!p0 .LBB2_2-.Ltmp0, $4  }
0x22: {  	s16 =	sadd.s32 $0x4E200, s30;
	[sflag:s15] =	ssyncadd.s32 $0xFFFFC000  }
0x23: {  	[hbm4b:s16+s3] =	stream.linear.scatter [tilespmem:s7], [sflag:$0x2], $0x14000, $0x38;
	[tilespmem:$0x14280] =	vst v63  }
0x24: {  	_ =	swait.ge [sflag:s4], $0x14000  }
0x25: {  	s17 =	sadd.s32 $0xFFFFFFFF, s31;
	[sflag:s4] =	ssyncset.done $0x0  }
.LBB2_1:
0x26: {  	p0 =	sne.s32 s17, $0x1;
	s17 =	sadd.s32 $0xFFFFFFFF, s17;
	[sflag:s4] =	ssyncadd.s32 $0xFFFEC000  }
0x27: {  	[tilespmem:s3], [sflag:$0x2] =	stream.linear.gather [hbm4b:s5+s3], $0x280, $0x38;
	[tilespmem:$0x14280] =	vst v63  }
0x28: {  	_ =	swait.ge [sflag:s4], $0x280  }
0x29: {  	[sflag:s4] =	ssyncset.done $0x0  }
0x2a: {  	[sflag:s4] =	ssyncadd.s32 $0xFFFFFD80  }
0x2b: {  	[tilespmem:s7], [sflag:$0x1] =	stream.indirect.gather [hbm4b:s2+s6], $0x80, s3, s6, $0xb8;
	[tilespmem:$0x14280] =	vst v63  }
0x2c: {  	_ = 	snop  }
0x2d: {  	[tilespmem:s8], [sflag:$0x1] =	stream.indirect.gather [hbm4b:s2+s6], $0x80, s6, s6, $0xb8;
	[tilespmem:$0x14280] =	vst v63  }
0x2e: {  	_ = 	snop  }
0x2f: {  	[tilespmem:s10], [sflag:$0x1] =	stream.indirect.gather [hbm4b:s2+s6], $0x80, s9, s6, $0xb8;
	[tilespmem:$0x14280] =	vst v63  }
0x30: {  	_ = 	snop  }
0x31: {  	[tilespmem:s12], [sflag:$0x1] =	stream.indirect.gather [hbm4b:s2+s6], $0x80, s11, s6, $0xb8;
	[tilespmem:$0x14280] =	vst v63  }
0x32: {  	_ = 	snop  }
0x33: {  	[tilespmem:s14], [sflag:$0x1] =	stream.indirect.gather [hbm4b:s2+s6], $0x80, s13, s6, $0xb8;
	[tilespmem:$0x14280] =	vst v63  }
0x34: {  	_ =	swait.ge [sflag:s15], $0x4000  }
0x35: {  	[sflag:s15] =	ssyncset.done $0x0  }
0x36: {  	[sflag:s15] =	ssyncadd.s32 $0xFFFFC000  }
0x37: {  	_ =	swait.ge [sflag:s15], $0x4000  }
0x38: {  	[sflag:s15] =	ssyncset.done $0x0  }
0x39: {  	[sflag:s15] =	ssyncadd.s32 $0xFFFFC000  }
0x3a: {  	_ =	swait.ge [sflag:s15], $0x4000  }
0x3b: {  	[sflag:s15] =	ssyncset.done $0x0  }
0x3c: {  	[sflag:s15] =	ssyncadd.s32 $0xFFFFC000  }
0x3d: {  	_ =	swait.ge [sflag:s15], $0x4000  }
0x3e: {  	[sflag:s15] =	ssyncset.done $0x0  }
0x3f: {  	[sflag:s15] =	ssyncadd.s32 $0xFFFFC000  }
0x40: {  	_ =	swait.ge [sflag:s15], $0x4000  }
.Ltmp1:
0x41: {  	[sflag:s15] =	ssyncset.done $0x0;
	(pc) =	sbr.rel @p0 .LBB2_1-.Ltmp1, $4  }
0x42: {  	[sflag:s15] =	ssyncadd.s32 $0xFFFFC000  }
0x43: {  	[hbm4b:s16+s3] =	stream.linear.scatter [tilespmem:s7], [sflag:$0x2], $0x14000, $0x38;
	[tilespmem:$0x14280] =	vst v63  }
0x44: {  	_ =	swait.ge [sflag:s4], $0x14000  }
0x45: {  	[sflag:s4] =	ssyncset.done $0x0  }
.LBB2_2:
0x46: {  	[sflag:s4] =	ssyncadd.s32 $0xFFFEC000  }
0x47: {  	_ =	sfence.sel $0x180000  }
0x48: {  	[bflag:$0x0] =	sbarrier.arrive $0xFFFF  }
0x49: {  	p0 =	sne.s32 s0, $0x0;
	_ =	strace $0x90000047  }
0x4a: {  	s0 =	sadd.s32 @!p0 $0x100000, s1;
	[bflag:$0x2] =	sbarrier.arrive $0xFFFF  }
0x4b: {  	[sflag:s0] =	ssyncadd.tile.s32 @!p0 $0x1;
	_ =	shalt  }
.Lfunc_end2:
_tile_overlayer_lowered:
.L_overlay_start_2:
0x4c: {  	(tag) =	ssettag $0x2  }
0x4d: {  	s0 =	rddreg [dreg:$0x0];
	s2 =	stileid.u32  }
0x4e: {  	s1 =	rddreg [dreg:$0x1];
	p0 =	sne.s32 s2, $0x0  }
0x4f: {  	s3 =	rddreg [dreg:$0x2];
	[bflag:$0x3] =	sbarrier.arrive $0xFFFF;
	s2 =	simm.s32 @!p0 $0x1C02  }
0x50: {  	[timem:s3], [sflag:s2] =	dma.local @!p0 [hbm:s0], s1  }
0x51: {  	s0 =	simm.s32 @!p0 $0x2  }
0x52: {  	_ =	swait.ge @!p0 [sflag:s0], s1  }
0x53: {  	s1 =	ssub.s32 @!p0 $0x0, s1;
	[sflag:s0] =	ssyncset.done @!p0 $0x0  }
0x54: {  	[sflag:s0] =	ssyncadd.s32 @!p0 s1  }
0x55: {  	[bflag:$0x3] =	sbarrier.arrive $0xFFFF  }
0x56: {  	_ =	shalt  }

</sc_bundles>
